<compile_context>
chip_gen: v7x
topology: tpu7x:2x2x1
jax: 0.10.2.dev20260603
libtpu: 0.0.44.dev20260713+nightly
codegen_flags: <defaults>
</compile_context>

<pallas_src>
import functools

import jax
import jax.numpy as jnp
from jax import lax
from jax.experimental import pallas as pl
from jax.experimental.pallas import tpu as pltpu
from jax.experimental.pallas import tpu_sc as plsc

NC, NS = 2, 16
NW = NC * NS
EB = 1000
NB = 1000
CH = 40
AW = 144


def _edge_tc(ea, W1, b1, W2, b2, wa, Wme, bm, ex_o, cc_o):
    enc = jnp.maximum(ea[...] @ W1[...] + b1[...], 0.0)
    enc = jnp.maximum(enc @ W2[...] + b2[...], 0.0)
    logit = jnp.clip(enc @ wa[...], -60.0, 60.0)
    ex = jnp.exp(logit)
    ex_o[...] = ex
    cc_o[...] = ex * (enc @ Wme[...] + bm[...])


def _node_tc(h, Wc, bs, xwc_o, sp_o):
    a = h[...]
    a0 = a[0] @ Wc[...]
    a1 = a[1] @ Wc[...]
    xwc_o[...] = jnp.concatenate([a0[:, :64], a1[:, :64]], axis=1)
    sp_o[...] = jnp.stack([a0[:, 64:] + bs[...], a1[:, 64:] + bs[...]])


def _final_tc(part, sp, CCm, cb, y_o):
    p = part[...]
    agg = p[0] + p[1]
    denom = jnp.clip(agg[:, 128:129], 1e-12, None)
    s = sp[...]
    s0 = jnp.maximum(agg[:, 0:64] / denom + s[0], 0.0)
    s1 = jnp.maximum(agg[:, 64:128] / denom + s[1], 0.0)
    S = jnp.concatenate([s0, s1], axis=1)
    Y = S @ CCm[...] + cb[...]
    y_o[...] = jnp.stack([Y[:, :64], Y[:, 64:]])


def _sc_body(xwc, src, dst, exv, cc, part,
             agg_sh, src_v, dst_v, ex_v, cc_v, g_v, s_v, sem,
             *, n_nodes, e_total):
    c = lax.axis_index("c")
    s = lax.axis_index("s")
    tile = c * NS + s
    per_tile = e_total // NW
    rows_pt = n_nodes // NS
    nchunks = per_tile // CH

    zero16 = jnp.zeros((16,), jnp.float32)

    def zrow(e, carry):
        for q in range(AW // 16):
            s_v[e, pl.ds(q * 16, 16)] = zero16
        return carry

    lax.fori_loop(0, CH, zrow, 0)

    zc = 25

    def zcopy(j, carry):
        pltpu.sync_copy(s_v.at[pl.ds(0, zc)],
                        agg_sh.at[pl.ds(s * rows_pt + j * zc, zc)])
        return carry

    lax.fori_loop(0, rows_pt // zc, zcopy, 0)
    plsc.subcore_barrier()

    first = lax.iota(jnp.int32, 16) == 0
    ebase = tile * per_tile

    def chunk(k, carry):
        kb = ebase + k * CH
        pltpu.sync_copy(src.at[pl.ds(kb, CH)], src_v)
        pltpu.sync_copy(dst.at[pl.ds(kb, CH)], dst_v)
        pltpu.sync_copy(exv.at[pl.ds(kb, CH)], ex_v)
        pltpu.sync_copy(cc.at[pl.ds(kb, CH)], cc_v)
        pltpu.async_copy(xwc.at[src_v], g_v, sem).wait()

        def ebody(e, ecarry):
            exs = plsc.load_gather(ex_v, [jnp.full((16,), e, jnp.int32)])
            s_v[e, pl.ds(128, 16)] = jnp.where(first, exs, 0.0)
            for q in range(4):
                ccq = cc_v[e, pl.ds(q * 16, 16)]
                for t in range(2):
                    col = t * 64 + q * 16
                    m = jnp.maximum(g_v[e, pl.ds(col, 16)] * exs + ccq, 0.0)
                    s_v[e, pl.ds(col, 16)] = m
            return ecarry

        lax.fori_loop(0, CH, ebody, 0)
        pltpu.sync_copy(s_v, agg_sh.at[dst_v], add=True)
        return carry

    lax.fori_loop(0, nchunks, chunk, 0)

    plsc.subcore_barrier()
    pltpu.sync_copy(agg_sh.at[pl.ds(s * rows_pt, rows_pt)],
                    part.at[c, pl.ds(s * rows_pt, rows_pt)])


def kernel(x, edge_index, edge_attr, W1, b1, W2, b2, w_attn, W_msg, b_msg,
           W_self, b_self, conv_w, conv_b):
    B_, T_, N_, F_ = x.shape
    E_ = edge_attr.shape[0]
    D_ = edge_attr.shape[1]
    H_ = W_self.shape[1]
    src = edge_index[0].astype(jnp.int32)
    dst = edge_index[1].astype(jnp.int32)
    h2 = x.reshape(B_ * T_, N_, F_)
    Wm_x = W_msg[:F_]
    Wm_e = W_msg[F_:]

    exv, cc = pl.pallas_call(
        _edge_tc,
        grid=(E_ // EB,),
        in_specs=[
            pl.BlockSpec((EB, D_), lambda i: (i, 0)),
            pl.BlockSpec((D_, H_), lambda i: (0, 0)),
            pl.BlockSpec((1, H_), lambda i: (0, 0)),
            pl.BlockSpec((H_, H_), lambda i: (0, 0)),
            pl.BlockSpec((1, H_), lambda i: (0, 0)),
            pl.BlockSpec((H_, 1), lambda i: (0, 0)),
            pl.BlockSpec((H_, H_), lambda i: (0, 0)),
            pl.BlockSpec((1, H_), lambda i: (0, 0)),
        ],
        out_specs=[pl.BlockSpec((EB, 1), lambda i: (i, 0)),
                   pl.BlockSpec((EB, H_), lambda i: (i, 0))],
        out_shape=[jax.ShapeDtypeStruct((E_, 1), jnp.float32),
                   jax.ShapeDtypeStruct((E_, H_), jnp.float32)],
    )(edge_attr, W1, b1.reshape(1, -1), W2, b2.reshape(1, -1), w_attn,
      Wm_e, b_msg.reshape(1, -1))

    Wc = jnp.concatenate([Wm_x, W_self], axis=1)
    xwc, sp = pl.pallas_call(
        _node_tc,
        grid=(N_ // NB,),
        in_specs=[pl.BlockSpec((2, NB, F_), lambda i: (0, i, 0)),
                  pl.BlockSpec((F_, 2 * H_), lambda i: (0, 0)),
                  pl.BlockSpec((1, H_), lambda i: (0, 0))],
        out_specs=[pl.BlockSpec((NB, 2 * H_), lambda i: (i, 0)),
                   pl.BlockSpec((2, NB, H_), lambda i: (0, i, 0))],
        out_shape=[jax.ShapeDtypeStruct((N_, 2 * H_), jnp.float32),
                   jax.ShapeDtypeStruct((2, N_, H_), jnp.float32)],
    )(h2, Wc, b_self.reshape(1, -1))

    mesh = plsc.VectorSubcoreMesh(core_axis_name="c", subcore_axis_name="s",
                                  num_cores=NC, num_subcores=NS)
    sc_fn = pl.kernel(
        functools.partial(_sc_body, n_nodes=N_, e_total=E_),
        out_type=jax.ShapeDtypeStruct((NC, N_, AW), jnp.float32),
        mesh=mesh,
        scratch_types=[
            pltpu.VMEM_SHARED((N_, AW), jnp.float32),
            pltpu.VMEM((CH,), jnp.int32),
            pltpu.VMEM((CH,), jnp.int32),
            pltpu.VMEM((CH,), jnp.float32),
            pltpu.VMEM((CH, 64), jnp.float32),
            pltpu.VMEM((CH, 128), jnp.float32),
            pltpu.VMEM((CH, AW), jnp.float32),
            pltpu.SemaphoreType.DMA,
        ],
        compiler_params=pltpu.CompilerParams(use_tc_tiling_on_sc=False,
                                             needs_layout_passes=False),
    )
    part = sc_fn(xwc, src, dst, exv.reshape(E_), cc)

    C0 = conv_w[:, :, 0].T
    C1 = conv_w[:, :, 1].T
    C2 = conv_w[:, :, 2].T
    CCm = jnp.concatenate([jnp.concatenate([C1, C0], axis=1),
                           jnp.concatenate([C2, C1], axis=1)], axis=0)
    cb = jnp.concatenate([conv_b, conv_b]).reshape(1, -1)
    y2 = pl.pallas_call(
        _final_tc,
        grid=(N_ // NB,),
        in_specs=[pl.BlockSpec((2, NB, AW), lambda i: (0, i, 0)),
                  pl.BlockSpec((2, NB, H_), lambda i: (0, i, 0)),
                  pl.BlockSpec((2 * H_, 2 * H_), lambda i: (0, 0)),
                  pl.BlockSpec((1, 2 * H_), lambda i: (0, 0))],
        out_specs=pl.BlockSpec((2, NB, H_), lambda i: (0, i, 0)),
        out_shape=jax.ShapeDtypeStruct((2, N_, H_), jnp.float32),
    )(part, sp, CCm, cb)
    return y2.reshape(B_, T_, N_, H_)

# --- scband reference (transcript-rebuilt; emitter-appended) ---
"""Pipeline reference for scband-stgcnblock-27376121544982 (READ-ONLY COPY).

The authoritative reference and input builder live on the scoring server;
editing this copy changes nothing except your own understanding.
"""

import jax, jax.numpy as jnp
import numpy as np

B, T, N, F_IN = 1, 2, 10000, 128
E = 160000
D_EDGE = 16
H = 64
K = 3


def setup_inputs(seed: int = 0) -> dict:
    key = jax.random.key(seed)
    ks = jax.random.split(key, 16)
    s = 0.05
    x = jax.random.normal(ks[0], (B, T, N, F_IN), dtype=jnp.float32)
    edge_index = jax.random.randint(ks[1], (2, E), 0, N, dtype=jnp.int64)
    edge_attr = jax.random.normal(ks[2], (E, D_EDGE), dtype=jnp.float32)
    W1 = jax.random.normal(ks[3], (D_EDGE, H), dtype=jnp.float32) * s
    b1 = jnp.zeros((H,), dtype=jnp.float32)
    W2 = jax.random.normal(ks[4], (H, H), dtype=jnp.float32) * s
    b2 = jnp.zeros((H,), dtype=jnp.float32)
    w_attn = jax.random.normal(ks[5], (H, 1), dtype=jnp.float32) * s
    W_msg = jax.random.normal(ks[6], (F_IN + H, H), dtype=jnp.float32) * s
    b_msg = jnp.zeros((H,), dtype=jnp.float32)
    W_self = jax.random.normal(ks[7], (F_IN, H), dtype=jnp.float32) * s
    b_self = jnp.zeros((H,), dtype=jnp.float32)
    conv_w = jax.random.normal(ks[8], (H, H, K), dtype=jnp.float32) * s
    conv_b = jnp.zeros((H,), dtype=jnp.float32)
    return {"x": x, "edge_index": edge_index, "edge_attr": edge_attr,
            "W1": W1, "b1": b1, "W2": W2, "b2": b2, "w_attn": w_attn,
            "W_msg": W_msg, "b_msg": b_msg, "W_self": W_self, "b_self": b_self,
            "conv_w": conv_w, "conv_b": conv_b}


def _edge_softmax_incoming(logits, dst, num_nodes):
    # logits: (BT, E); dst: (E,)
    BT = logits.shape[0]
    max_val = jnp.full((BT, num_nodes), -jnp.inf, dtype=logits.dtype)
    max_val = max_val.at[:, dst].max(logits)
    max_per_edge = max_val[:, dst]
    ex = jnp.exp(logits - max_per_edge)
    sum_val = jnp.zeros((BT, num_nodes), dtype=logits.dtype)
    sum_val = sum_val.at[:, dst].add(ex)
    denom = jnp.clip(sum_val[:, dst], 1e-12, None)
    return ex / denom


def reference(x, edge_index, edge_attr, W1, b1, W2, b2, w_attn, W_msg, b_msg, W_self, b_self, conv_w, conv_b):
    Bx, Tx, Nx, Fx = x.shape
    BT = Bx * Tx
    src = edge_index[0]
    dst = edge_index[1]
    h = x.reshape(BT, Nx, Fx)
    # edge MLP (2D edge_attr path)
    enc_e = jax.nn.relu(edge_attr @ W1 + b1)
    enc_e = jax.nn.relu(enc_e @ W2 + b2)  # (E, H)
    logits_e = (enc_e @ w_attn)[:, 0]  # (E,)
    logits = jnp.broadcast_to(logits_e[None, :], (BT, E))
    attn = _edge_softmax_incoming(logits, dst, Nx)  # (BT, E)
    h_src = h[:, src, :]  # (BT, E, F)
    enc_b = jnp.broadcast_to(enc_e[None, :, :], (BT, E, H))
    msg_in = jnp.concatenate([h_src, enc_b], axis=-1)
    msg = jax.nn.relu(msg_in @ W_msg + b_msg)  # (BT, E, H)
    weighted = attn[..., None] * msg
    agg = jnp.zeros((BT, Nx, H), dtype=x.dtype)
    agg = agg.at[:, dst, :].add(weighted)
    out_s = jax.nn.relu(agg + h @ W_self + b_self)  # (BT, N, H)
    y = out_s.reshape(Bx, Tx, Nx, H)
    y = jnp.transpose(y, (0, 2, 3, 1)).reshape(Bx * Nx, H, Tx)
    y = jax.lax.conv_general_dilated(y, conv_w, window_strides=(1,), padding=[(K // 2, K // 2)],
                                     dimension_numbers=("NCH", "OIH", "NCH"))
    y = y + conv_b[None, :, None]
    y = y.reshape(Bx, Nx, H, Tx)
    y = jnp.transpose(y, (0, 3, 1, 2))
    return y

if __name__ == "__main__":
    import jax
    _d = setup_inputs()
    print(jax.jit(kernel)(*tuple(_d.values())))

</pallas_src>

<mosaic_0001>
#map = affine_map<(d0, d1) -> (0, 0)>
#map1 = affine_map<(d0, d1) -> (0)>
#map2 = affine_map<(d0, d1) -> (0, 0, 0)>
module attributes {stable_mosaic.version = 14 : i64} {
  func.func @_sc_body(%arg0: i32, %arg1: i32, %arg2: memref<10000x128xf32, #tpu.memory_space<hbm>>, %arg3: memref<160000xi32, #tpu.memory_space<hbm>>, %arg4: memref<160000xi32, #tpu.memory_space<hbm>>, %arg5: memref<160000xf32, #tpu.memory_space<hbm>>, %arg6: memref<160000x64xf32, #tpu.memory_space<hbm>>, %arg7: memref<2x10000x144xf32, #tpu.memory_space<hbm>>, %arg8: memref<10000x144xf32, #tpu.memory_space<vmem_shared>>, %arg9: memref<40xi32, #tpu.memory_space<vmem>>, %arg10: memref<40xi32, #tpu.memory_space<vmem>>, %arg11: memref<40xf32, #tpu.memory_space<vmem>>, %arg12: memref<40x64xf32, #tpu.memory_space<vmem>>, %arg13: memref<40x128xf32, #tpu.memory_space<vmem>>, %arg14: memref<40x144xf32, #tpu.memory_space<vmem>>, %arg15: memref<!tpu.dma_semaphore, #tpu.memory_space<semaphore_mem>>) attributes {dimension_semantics = [#tpu.dimension_semantics<core_parallel>, #tpu.dimension_semantics<subcore_parallel>], iteration_bounds = array<i64: 2, 16>, scalar_prefetch = 0 : i64, scratch_operands = 8 : i64, tpu.core_type = #tpu.core_type<sc_vector_subcore>, window_params = [{transform_indices = #map}, {transform_indices = #map1}, {transform_indices = #map1}, {transform_indices = #map1}, {transform_indices = #map}, {transform_indices = #map2}]} {
    %mul3A = arith.constant 16 : i32
    %mul3A_0 = arith.muli %arg0, %mul3A : i32
    %add3A = arith.addi %mul3A_0, %arg1 : i32
    %broadcast_in_dim3A = arith.constant 0.000000e+00 : f32
    %broadcast_in_dim3A_1 = vector.broadcast %broadcast_in_dim3A : f32 to vector<16xf32>
    %scan3A = arith.constant 0 : i32
    %scan3A_2 = arith.constant 0 : i32
    %scan3A_3 = arith.constant 40 : i32
    %scan3A_4 = arith.addi %scan3A_2, %scan3A_3 : i32
    %scan3A_5 = arith.constant 1 : i32
    scf.for %scan3A_28 = %scan3A_2 to %scan3A_4 step %scan3A_5  : i32 {
      %swap3A = arith.index_cast %scan3A_28 : i32 to index
      %swap3A_29 = arith.constant 0 : index
      %swap3A_30 = tpu.vector_load %arg14[%swap3A, %swap3A_29] {strides = array<i32>} : memref<40x144xf32, #tpu.memory_space<vmem>>, vector<16xf32>,
      tpu.vector_store %arg14[%swap3A, %swap3A_29], %broadcast_in_dim3A_1 {strides = array<i32>} : memref<40x144xf32, #tpu.memory_space<vmem>>, vector<16xf32>,
      %swap3A_31 = arith.index_cast %scan3A_28 : i32 to index
      %swap3A_32 = arith.constant 16 : index
      %swap3A_33 = tpu.vector_load %arg14[%swap3A_31, %swap3A_32] {strides = array<i32>} : memref<40x144xf32, #tpu.memory_space<vmem>>, vector<16xf32>,
      tpu.vector_store %arg14[%swap3A_31, %swap3A_32], %broadcast_in_dim3A_1 {strides = array<i32>} : memref<40x144xf32, #tpu.memory_space<vmem>>, vector<16xf32>,
      %swap3A_34 = arith.index_cast %scan3A_28 : i32 to index
      %swap3A_35 = arith.constant 32 : index
      %swap3A_36 = tpu.vector_load %arg14[%swap3A_34, %swap3A_35] {strides = array<i32>} : memref<40x144xf32, #tpu.memory_space<vmem>>, vector<16xf32>,
      tpu.vector_store %arg14[%swap3A_34, %swap3A_35], %broadcast_in_dim3A_1 {strides = array<i32>} : memref<40x144xf32, #tpu.memory_space<vmem>>, vector<16xf32>,
      %swap3A_37 = arith.index_cast %scan3A_28 : i32 to index
      %swap3A_38 = arith.constant 48 : index
      %swap3A_39 = tpu.vector_load %arg14[%swap3A_37, %swap3A_38] {strides = array<i32>} : memref<40x144xf32, #tpu.memory_space<vmem>>, vector<16xf32>,
      tpu.vector_store %arg14[%swap3A_37, %swap3A_38], %broadcast_in_dim3A_1 {strides = array<i32>} : memref<40x144xf32, #tpu.memory_space<vmem>>, vector<16xf32>,
      %swap3A_40 = arith.index_cast %scan3A_28 : i32 to index
      %swap3A_41 = arith.constant 64 : index
      %swap3A_42 = tpu.vector_load %arg14[%swap3A_40, %swap3A_41] {strides = array<i32>} : memref<40x144xf32, #tpu.memory_space<vmem>>, vector<16xf32>,
      tpu.vector_store %arg14[%swap3A_40, %swap3A_41], %broadcast_in_dim3A_1 {strides = array<i32>} : memref<40x144xf32, #tpu.memory_space<vmem>>, vector<16xf32>,
      %swap3A_43 = arith.index_cast %scan3A_28 : i32 to index
      %swap3A_44 = arith.constant 80 : index
      %swap3A_45 = tpu.vector_load %arg14[%swap3A_43, %swap3A_44] {strides = array<i32>} : memref<40x144xf32, #tpu.memory_space<vmem>>, vector<16xf32>,
      tpu.vector_store %arg14[%swap3A_43, %swap3A_44], %broadcast_in_dim3A_1 {strides = array<i32>} : memref<40x144xf32, #tpu.memory_space<vmem>>, vector<16xf32>,
      %swap3A_46 = arith.index_cast %scan3A_28 : i32 to index
      %swap3A_47 = arith.constant 96 : index
      %swap3A_48 = tpu.vector_load %arg14[%swap3A_46, %swap3A_47] {strides = array<i32>} : memref<40x144xf32, #tpu.memory_space<vmem>>, vector<16xf32>,
      tpu.vector_store %arg14[%swap3A_46, %swap3A_47], %broadcast_in_dim3A_1 {strides = array<i32>} : memref<40x144xf32, #tpu.memory_space<vmem>>, vector<16xf32>,
      %swap3A_49 = arith.index_cast %scan3A_28 : i32 to index
      %swap3A_50 = arith.constant 112 : index
      %swap3A_51 = tpu.vector_load %arg14[%swap3A_49, %swap3A_50] {strides = array<i32>} : memref<40x144xf32, #tpu.memory_space<vmem>>, vector<16xf32>,
      tpu.vector_store %arg14[%swap3A_49, %swap3A_50], %broadcast_in_dim3A_1 {strides = array<i32>} : memref<40x144xf32, #tpu.memory_space<vmem>>, vector<16xf32>,
      %swap3A_52 = arith.index_cast %scan3A_28 : i32 to index
      %swap3A_53 = arith.constant 128 : index
      %swap3A_54 = tpu.vector_load %arg14[%swap3A_52, %swap3A_53] {strides = array<i32>} : memref<40x144xf32, #tpu.memory_space<vmem>>, vector<16xf32>,
      tpu.vector_store %arg14[%swap3A_52, %swap3A_53], %broadcast_in_dim3A_1 {strides = array<i32>} : memref<40x144xf32, #tpu.memory_space<vmem>>, vector<16xf32>,
    }
    %scan3A_6 = arith.constant 40 : i32
    %scan3A_7 = arith.constant 0 : i32
    %scan3A_8 = arith.constant 0 : i32
    %scan3A_9 = arith.constant 25 : i32
    %scan3A_10 = arith.addi %scan3A_8, %scan3A_9 : i32
    %scan3A_11 = arith.constant 1 : i32
    scf.for %scan3A_28 = %scan3A_8 to %scan3A_10 step %scan3A_11  : i32 {
      %mul3A_29 = arith.constant 625 : i32
      %mul3A_30 = arith.muli %arg1, %mul3A_29 : i32
      %mul3A_31 = arith.constant 25 : i32
      %mul3A_32 = arith.muli %scan3A_28, %mul3A_31 : i32
      %add3A_33 = arith.addi %mul3A_30, %mul3A_32 : i32
      "tpu.region"() ({
        %run_scoped3A = tpu.sem_alloc : memref<!tpu.dma_semaphore, #tpu.memory_space<semaphore_mem>>
        %dma_start3A = arith.constant 0 : i32
        %dma_start3A_34 = arith.constant 0 : i32
        %dma_start3A_35 = tpu.memref_slice %arg14[%dma_start3A, %dma_start3A_34] : memref<40x144xf32, #tpu.memory_space<vmem>> -> memref<25x144xf32, #tpu.memory_space<vmem>>
        %dma_start3A_36 = arith.constant 0 : i32
        %dma_start3A_37 = tpu.memref_slice %arg8[%add3A_33, %dma_start3A_36] : memref<10000x144xf32, #tpu.memory_space<vmem_shared>> -> memref<25x144xf32, #tpu.memory_space<vmem_shared>>
        %dma_start3A_38 = arith.constant 0 : i32
        %dma_start3A_39 = tpu.memref_slice %arg8[%add3A_33, %dma_start3A_38] : memref<10000x144xf32, #tpu.memory_space<vmem_shared>> -> memref<25x144xf32, #tpu.memory_space<vmem_shared>>
        %dma_start3A_40 = arith.constant 0 : i32
        %dma_start3A_41 = arith.constant 0 : i32
        %dma_start3A_42 = tpu.memref_slice %arg14[%dma_start3A_40, %dma_start3A_41] : memref<40x144xf32, #tpu.memory_space<vmem>> -> memref<25x144xf32, #tpu.memory_space<vmem>>
        tpu.enqueue_dma source(%dma_start3A_42 : memref<25x144xf32, #tpu.memory_space<vmem>>) target(%dma_start3A_39 : memref<25x144xf32, #tpu.memory_space<vmem_shared>>) target_semaphore(%run_scoped3A : memref<!tpu.dma_semaphore, #tpu.memory_space<semaphore_mem>>)
        %dma_wait3A = arith.constant 0 : i32
        %dma_wait3A_43 = arith.constant 0 : i32
        %dma_wait3A_44 = tpu.memref_slice %arg14[%dma_wait3A, %dma_wait3A_43] : memref<40x144xf32, #tpu.memory_space<vmem>> -> memref<25x144xf32, #tpu.memory_space<vmem>>
        %dma_wait3A_45 = arith.constant 0 : i32
        %dma_wait3A_46 = tpu.memref_slice %arg8[%add3A_33, %dma_wait3A_45] : memref<10000x144xf32, #tpu.memory_space<vmem_shared>> -> memref<25x144xf32, #tpu.memory_space<vmem_shared>>
        %dma_wait3A_47 = arith.constant 0 : i32
        %dma_wait3A_48 = tpu.memref_slice %arg8[%add3A_33, %dma_wait3A_47] : memref<10000x144xf32, #tpu.memory_space<vmem_shared>> -> memref<25x144xf32, #tpu.memory_space<vmem_shared>>
        %dma_wait3A_49 = arith.constant 0 : i32
        %dma_wait3A_50 = arith.constant 0 : i32
        %dma_wait3A_51 = tpu.memref_slice %arg14[%dma_wait3A_49, %dma_wait3A_50] : memref<40x144xf32, #tpu.memory_space<vmem>> -> memref<25x144xf32, #tpu.memory_space<vmem>>
        tpu.wait_dma2 semaphore(%run_scoped3A : memref<!tpu.dma_semaphore, #tpu.memory_space<semaphore_mem>>) src(%dma_wait3A_51 : memref<25x144xf32, #tpu.memory_space<vmem>>) dst(%dma_wait3A_48 : memref<25x144xf32, #tpu.memory_space<vmem_shared>>)
        tpu.yield
      }) : () -> ()
    }
    %scan3A_12 = arith.constant 25 : i32
    %barrier3A = arith.constant 0 : index
    tpu.barrier barrier_id(%barrier3A)
    %iota3A = tpu.iota {dimensions = array<i32: 0>} : vector<16xi32>
    %eq3A = arith.constant 0 : i32
    %eq3A_13 = vector.broadcast %eq3A : i32 to vector<16xi32>
    %eq3A_14 = arith.cmpi eq, %iota3A, %eq3A_13 : vector<16xi32>
    %mul3A_15 = arith.constant 5000 : i32
    %mul3A_16 = arith.muli %add3A, %mul3A_15 : i32
    %scan3A_17 = arith.constant 0 : i32
    %scan3A_18 = arith.constant 0 : i32
    %scan3A_19 = arith.constant 125 : i32
    %scan3A_20 = arith.addi %scan3A_18, %scan3A_19 : i32
    %scan3A_21 = arith.constant 1 : i32
    scf.for %scan3A_28 = %scan3A_18 to %scan3A_20 step %scan3A_21  : i32 {
      %mul3A_29 = arith.constant 40 : i32
      %mul3A_30 = arith.muli %scan3A_28, %mul3A_29 : i32
      %add3A_31 = arith.addi %mul3A_16, %mul3A_30 : i32
      "tpu.region"() ({
        %run_scoped3A = tpu.sem_alloc : memref<!tpu.dma_semaphore, #tpu.memory_space<semaphore_mem>>
        %dma_start3A_42 = tpu.memref_slice %arg3[%add3A_31] : memref<160000xi32, #tpu.memory_space<hbm>> -> memref<40xi32, #tpu.memory_space<hbm>>
        %dma_start3A_43 = tpu.memref_slice %arg3[%add3A_31] : memref<160000xi32, #tpu.memory_space<hbm>> -> memref<40xi32, #tpu.memory_space<hbm>>
        tpu.enqueue_dma source(%dma_start3A_43 : memref<40xi32, #tpu.memory_space<hbm>>) target(%arg9 : memref<40xi32, #tpu.memory_space<vmem>>) target_semaphore(%run_scoped3A : memref<!tpu.dma_semaphore, #tpu.memory_space<semaphore_mem>>)
        %dma_wait3A_44 = tpu.memref_slice %arg3[%add3A_31] : memref<160000xi32, #tpu.memory_space<hbm>> -> memref<40xi32, #tpu.memory_space<hbm>>
        %dma_wait3A_45 = tpu.memref_slice %arg3[%add3A_31] : memref<160000xi32, #tpu.memory_space<hbm>> -> memref<40xi32, #tpu.memory_space<hbm>>
        tpu.wait_dma2 semaphore(%run_scoped3A : memref<!tpu.dma_semaphore, #tpu.memory_space<semaphore_mem>>) src(%dma_wait3A_45 : memref<40xi32, #tpu.memory_space<hbm>>) dst(%arg9 : memref<40xi32, #tpu.memory_space<vmem>>)
        tpu.yield
      }) : () -> ()
      "tpu.region"() ({
        %run_scoped3A = tpu.sem_alloc : memref<!tpu.dma_semaphore, #tpu.memory_space<semaphore_mem>>
        %dma_start3A_42 = tpu.memref_slice %arg4[%add3A_31] : memref<160000xi32, #tpu.memory_space<hbm>> -> memref<40xi32, #tpu.memory_space<hbm>>
        %dma_start3A_43 = tpu.memref_slice %arg4[%add3A_31] : memref<160000xi32, #tpu.memory_space<hbm>> -> memref<40xi32, #tpu.memory_space<hbm>>
        tpu.enqueue_dma source(%dma_start3A_43 : memref<40xi32, #tpu.memory_space<hbm>>) target(%arg10 : memref<40xi32, #tpu.memory_space<vmem>>) target_semaphore(%run_scoped3A : memref<!tpu.dma_semaphore, #tpu.memory_space<semaphore_mem>>)
        %dma_wait3A_44 = tpu.memref_slice %arg4[%add3A_31] : memref<160000xi32, #tpu.memory_space<hbm>> -> memref<40xi32, #tpu.memory_space<hbm>>
        %dma_wait3A_45 = tpu.memref_slice %arg4[%add3A_31] : memref<160000xi32, #tpu.memory_space<hbm>> -> memref<40xi32, #tpu.memory_space<hbm>>
        tpu.wait_dma2 semaphore(%run_scoped3A : memref<!tpu.dma_semaphore, #tpu.memory_space<semaphore_mem>>) src(%dma_wait3A_45 : memref<40xi32, #tpu.memory_space<hbm>>) dst(%arg10 : memref<40xi32, #tpu.memory_space<vmem>>)
        tpu.yield
      }) : () -> ()
      "tpu.region"() ({
        %run_scoped3A = tpu.sem_alloc : memref<!tpu.dma_semaphore, #tpu.memory_space<semaphore_mem>>
        %dma_start3A_42 = tpu.memref_slice %arg5[%add3A_31] : memref<160000xf32, #tpu.memory_space<hbm>> -> memref<40xf32, #tpu.memory_space<hbm>>
        %dma_start3A_43 = tpu.memref_slice %arg5[%add3A_31] : memref<160000xf32, #tpu.memory_space<hbm>> -> memref<40xf32, #tpu.memory_space<hbm>>
        tpu.enqueue_dma source(%dma_start3A_43 : memref<40xf32, #tpu.memory_space<hbm>>) target(%arg11 : memref<40xf32, #tpu.memory_space<vmem>>) target_semaphore(%run_scoped3A : memref<!tpu.dma_semaphore, #tpu.memory_space<semaphore_mem>>)
        %dma_wait3A_44 = tpu.memref_slice %arg5[%add3A_31] : memref<160000xf32, #tpu.memory_space<hbm>> -> memref<40xf32, #tpu.memory_space<hbm>>
        %dma_wait3A_45 = tpu.memref_slice %arg5[%add3A_31] : memref<160000xf32, #tpu.memory_space<hbm>> -> memref<40xf32, #tpu.memory_space<hbm>>
        tpu.wait_dma2 semaphore(%run_scoped3A : memref<!tpu.dma_semaphore, #tpu.memory_space<semaphore_mem>>) src(%dma_wait3A_45 : memref<40xf32, #tpu.memory_space<hbm>>) dst(%arg11 : memref<40xf32, #tpu.memory_space<vmem>>)
        tpu.yield
      }) : () -> ()
      "tpu.region"() ({
        %run_scoped3A = tpu.sem_alloc : memref<!tpu.dma_semaphore, #tpu.memory_space<semaphore_mem>>
        %dma_start3A_42 = arith.constant 0 : i32
        %dma_start3A_43 = tpu.memref_slice %arg6[%add3A_31, %dma_start3A_42] : memref<160000x64xf32, #tpu.memory_space<hbm>> -> memref<40x64xf32, #tpu.memory_space<hbm>>
        %dma_start3A_44 = arith.constant 0 : i32
        %dma_start3A_45 = tpu.memref_slice %arg6[%add3A_31, %dma_start3A_44] : memref<160000x64xf32, #tpu.memory_space<hbm>> -> memref<40x64xf32, #tpu.memory_space<hbm>>
        tpu.enqueue_dma source(%dma_start3A_45 : memref<40x64xf32, #tpu.memory_space<hbm>>) target(%arg12 : memref<40x64xf32, #tpu.memory_space<vmem>>) target_semaphore(%run_scoped3A : memref<!tpu.dma_semaphore, #tpu.memory_space<semaphore_mem>>)
        %dma_wait3A_46 = arith.constant 0 : i32
        %dma_wait3A_47 = tpu.memref_slice %arg6[%add3A_31, %dma_wait3A_46] : memref<160000x64xf32, #tpu.memory_space<hbm>> -> memref<40x64xf32, #tpu.memory_space<hbm>>
        %dma_wait3A_48 = arith.constant 0 : i32
        %dma_wait3A_49 = tpu.memref_slice %arg6[%add3A_31, %dma_wait3A_48] : memref<160000x64xf32, #tpu.memory_space<hbm>> -> memref<40x64xf32, #tpu.memory_space<hbm>>
        tpu.wait_dma2 semaphore(%run_scoped3A : memref<!tpu.dma_semaphore, #tpu.memory_space<semaphore_mem>>) src(%dma_wait3A_49 : memref<40x64xf32, #tpu.memory_space<hbm>>) dst(%arg12 : memref<40x64xf32, #tpu.memory_space<vmem>>)
        tpu.yield
      }) : () -> ()
      %dma_start3A = arith.constant 0 : i32
      %dma_start3A_32 = arith.constant 0 : i32
      %dma_start3A_33 = tpu.memref_slice %arg2[%dma_start3A, %dma_start3A_32] : memref<10000x128xf32, #tpu.memory_space<hbm>> -> memref<10000x128xf32, #tpu.memory_space<hbm>>
      tpu.enqueue_indirect_dma source(%dma_start3A_33 : memref<10000x128xf32, #tpu.memory_space<hbm>>) target(%arg13 : memref<40x128xf32, #tpu.memory_space<vmem>>) offsets(%arg9 : memref<40xi32, #tpu.memory_space<vmem>>) semaphore(%arg15 : memref<!tpu.dma_semaphore, #tpu.memory_space<semaphore_mem>>)
      %dma_wait3A = arith.constant 0 : i32
      %dma_wait3A_34 = arith.constant 0 : i32
      %dma_wait3A_35 = tpu.memref_slice %arg2[%dma_wait3A, %dma_wait3A_34] : memref<10000x128xf32, #tpu.memory_space<hbm>> -> memref<10000x128xf32, #tpu.memory_space<hbm>>
      tpu.wait_indirect_dma semaphore(%arg15 : memref<!tpu.dma_semaphore, #tpu.memory_space<semaphore_mem>>) src(%dma_wait3A_35 : memref<10000x128xf32, #tpu.memory_space<hbm>>) dst(%arg13 : memref<40x128xf32, #tpu.memory_space<vmem>>)
      %scan3A_36 = arith.constant 0 : i32
      %scan3A_37 = arith.constant 0 : i32
      %scan3A_38 = arith.constant 40 : i32
      %scan3A_39 = arith.addi %scan3A_37, %scan3A_38 : i32
      %scan3A_40 = arith.constant 1 : i32
      scf.for %scan3A_42 = %scan3A_37 to %scan3A_39 step %scan3A_40  : i32 {
        %broadcast_in_dim3A_43 = vector.broadcast %scan3A_42 : i32 to vector<16xi32>
        %gather3A = tpu.vector_load_idx %arg11[%broadcast_in_dim3A_43] : memref<40xf32, #tpu.memory_space<vmem>>[vector<16xi32>], vector<16xf32>,
        %jit3A = arith.constant 0.000000e+00 : f32
        %broadcast_in_dim3A_44 = vector.broadcast %jit3A : f32 to vector<16xf32>
        %select_n3A = arith.select %eq3A_14, %gather3A, %broadcast_in_dim3A_44 : vector<16xi1>, vector<16xf32>
        %swap3A = arith.index_cast %scan3A_42 : i32 to index
        %swap3A_45 = arith.constant 128 : index
        %swap3A_46 = tpu.vector_load %arg14[%swap3A, %swap3A_45] {strides = array<i32>} : memref<40x144xf32, #tpu.memory_space<vmem>>, vector<16xf32>,
        tpu.vector_store %arg14[%swap3A, %swap3A_45], %select_n3A {strides = array<i32>} : memref<40x144xf32, #tpu.memory_space<vmem>>, vector<16xf32>,
        %get3A = arith.index_cast %scan3A_42 : i32 to index
        %get3A_47 = arith.constant 0 : index
        %get3A_48 = tpu.vector_load %arg12[%get3A, %get3A_47] {strides = array<i32>} : memref<40x64xf32, #tpu.memory_space<vmem>>, vector<16xf32>,
        %get3A_49 = arith.index_cast %scan3A_42 : i32 to index
        %get3A_50 = arith.constant 0 : index
        %get3A_51 = tpu.vector_load %arg13[%get3A_49, %get3A_50] {strides = array<i32>} : memref<40x128xf32, #tpu.memory_space<vmem>>, vector<16xf32>,
        %mul3A_52 = arith.mulf %get3A_51, %gather3A : vector<16xf32>
        %add3A_53 = arith.addf %mul3A_52, %get3A_48 : vector<16xf32>
        %max3A = arith.constant 0.000000e+00 : f32
        %max3A_54 = vector.broadcast %max3A : f32 to vector<16xf32>
        %max3A_55 = arith.maximumf %add3A_53, %max3A_54 : vector<16xf32>
        %swap3A_56 = arith.index_cast %scan3A_42 : i32 to index
        %swap3A_57 = arith.constant 0 : index
        %swap3A_58 = tpu.vector_load %arg14[%swap3A_56, %swap3A_57] {strides = array<i32>} : memref<40x144xf32, #tpu.memory_space<vmem>>, vector<16xf32>,
        tpu.vector_store %arg14[%swap3A_56, %swap3A_57], %max3A_55 {strides = array<i32>} : memref<40x144xf32, #tpu.memory_space<vmem>>, vector<16xf32>,
        %get3A_59 = arith.index_cast %scan3A_42 : i32 to index
        %get3A_60 = arith.constant 64 : index
        %get3A_61 = tpu.vector_load %arg13[%get3A_59, %get3A_60] {strides = array<i32>} : memref<40x128xf32, #tpu.memory_space<vmem>>, vector<16xf32>,
        %mul3A_62 = arith.mulf %get3A_61, %gather3A : vector<16xf32>
        %add3A_63 = arith.addf %mul3A_62, %get3A_48 : vector<16xf32>
        %max3A_64 = arith.constant 0.000000e+00 : f32
        %max3A_65 = vector.broadcast %max3A_64 : f32 to vector<16xf32>
        %max3A_66 = arith.maximumf %add3A_63, %max3A_65 : vector<16xf32>
        %swap3A_67 = arith.index_cast %scan3A_42 : i32 to index
        %swap3A_68 = arith.constant 64 : index
        %swap3A_69 = tpu.vector_load %arg14[%swap3A_67, %swap3A_68] {strides = array<i32>} : memref<40x144xf32, #tpu.memory_space<vmem>>, vector<16xf32>,
        tpu.vector_store %arg14[%swap3A_67, %swap3A_68], %max3A_66 {strides = array<i32>} : memref<40x144xf32, #tpu.memory_space<vmem>>, vector<16xf32>,
        %get3A_70 = arith.index_cast %scan3A_42 : i32 to index
        %get3A_71 = arith.constant 16 : index
        %get3A_72 = tpu.vector_load %arg12[%get3A_70, %get3A_71] {strides = array<i32>} : memref<40x64xf32, #tpu.memory_space<vmem>>, vector<16xf32>,
        %get3A_73 = arith.index_cast %scan3A_42 : i32 to index
        %get3A_74 = arith.constant 16 : index
        %get3A_75 = tpu.vector_load %arg13[%get3A_73, %get3A_74] {strides = array<i32>} : memref<40x128xf32, #tpu.memory_space<vmem>>, vector<16xf32>,
        %mul3A_76 = arith.mulf %get3A_75, %gather3A : vector<16xf32>
        %add3A_77 = arith.addf %mul3A_76, %get3A_72 : vector<16xf32>
        %max3A_78 = arith.constant 0.000000e+00 : f32
        %max3A_79 = vector.broadcast %max3A_78 : f32 to vector<16xf32>
        %max3A_80 = arith.maximumf %add3A_77, %max3A_79 : vector<16xf32>
        %swap3A_81 = arith.index_cast %scan3A_42 : i32 to index
        %swap3A_82 = arith.constant 16 : index
        %swap3A_83 = tpu.vector_load %arg14[%swap3A_81, %swap3A_82] {strides = array<i32>} : memref<40x144xf32, #tpu.memory_space<vmem>>, vector<16xf32>,
        tpu.vector_store %arg14[%swap3A_81, %swap3A_82], %max3A_80 {strides = array<i32>} : memref<40x144xf32, #tpu.memory_space<vmem>>, vector<16xf32>,
        %get3A_84 = arith.index_cast %scan3A_42 : i32 to index
        %get3A_85 = arith.constant 80 : index
        %get3A_86 = tpu.vector_load %arg13[%get3A_84, %get3A_85] {strides = array<i32>} : memref<40x128xf32, #tpu.memory_space<vmem>>, vector<16xf32>,
        %mul3A_87 = arith.mulf %get3A_86, %gather3A : vector<16xf32>
        %add3A_88 = arith.addf %mul3A_87, %get3A_72 : vector<16xf32>
        %max3A_89 = arith.constant 0.000000e+00 : f32
        %max3A_90 = vector.broadcast %max3A_89 : f32 to vector<16xf32>
        %max3A_91 = arith.maximumf %add3A_88, %max3A_90 : vector<16xf32>
        %swap3A_92 = arith.index_cast %scan3A_42 : i32 to index
        %swap3A_93 = arith.constant 80 : index
        %swap3A_94 = tpu.vector_load %arg14[%swap3A_92, %swap3A_93] {strides = array<i32>} : memref<40x144xf32, #tpu.memory_space<vmem>>, vector<16xf32>,
        tpu.vector_store %arg14[%swap3A_92, %swap3A_93], %max3A_91 {strides = array<i32>} : memref<40x144xf32, #tpu.memory_space<vmem>>, vector<16xf32>,
        %get3A_95 = arith.index_cast %scan3A_42 : i32 to index
        %get3A_96 = arith.constant 32 : index
        %get3A_97 = tpu.vector_load %arg12[%get3A_95, %get3A_96] {strides = array<i32>} : memref<40x64xf32, #tpu.memory_space<vmem>>, vector<16xf32>,
        %get3A_98 = arith.index_cast %scan3A_42 : i32 to index
        %get3A_99 = arith.constant 32 : index
        %get3A_100 = tpu.vector_load %arg13[%get3A_98, %get3A_99] {strides = array<i32>} : memref<40x128xf32, #tpu.memory_space<vmem>>, vector<16xf32>,
        %mul3A_101 = arith.mulf %get3A_100, %gather3A : vector<16xf32>
        %add3A_102 = arith.addf %mul3A_101, %get3A_97 : vector<16xf32>
        %max3A_103 = arith.constant 0.000000e+00 : f32
        %max3A_104 = vector.broadcast %max3A_103 : f32 to vector<16xf32>
        %max3A_105 = arith.maximumf %add3A_102, %max3A_104 : vector<16xf32>
        %swap3A_106 = arith.index_cast %scan3A_42 : i32 to index
        %swap3A_107 = arith.constant 32 : index
        %swap3A_108 = tpu.vector_load %arg14[%swap3A_106, %swap3A_107] {strides = array<i32>} : memref<40x144xf32, #tpu.memory_space<vmem>>, vector<16xf32>,
        tpu.vector_store %arg14[%swap3A_106, %swap3A_107], %max3A_105 {strides = array<i32>} : memref<40x144xf32, #tpu.memory_space<vmem>>, vector<16xf32>,
        %get3A_109 = arith.index_cast %scan3A_42 : i32 to index
        %get3A_110 = arith.constant 96 : index
        %get3A_111 = tpu.vector_load %arg13[%get3A_109, %get3A_110] {strides = array<i32>} : memref<40x128xf32, #tpu.memory_space<vmem>>, vector<16xf32>,
        %mul3A_112 = arith.mulf %get3A_111, %gather3A : vector<16xf32>
        %add3A_113 = arith.addf %mul3A_112, %get3A_97 : vector<16xf32>
        %max3A_114 = arith.constant 0.000000e+00 : f32
        %max3A_115 = vector.broadcast %max3A_114 : f32 to vector<16xf32>
        %max3A_116 = arith.maximumf %add3A_113, %max3A_115 : vector<16xf32>
        %swap3A_117 = arith.index_cast %scan3A_42 : i32 to index
        %swap3A_118 = arith.constant 96 : index
        %swap3A_119 = tpu.vector_load %arg14[%swap3A_117, %swap3A_118] {strides = array<i32>} : memref<40x144xf32, #tpu.memory_space<vmem>>, vector<16xf32>,
        tpu.vector_store %arg14[%swap3A_117, %swap3A_118], %max3A_116 {strides = array<i32>} : memref<40x144xf32, #tpu.memory_space<vmem>>, vector<16xf32>,
        %get3A_120 = arith.index_cast %scan3A_42 : i32 to index
        %get3A_121 = arith.constant 48 : index
        %get3A_122 = tpu.vector_load %arg12[%get3A_120, %get3A_121] {strides = array<i32>} : memref<40x64xf32, #tpu.memory_space<vmem>>, vector<16xf32>,
        %get3A_123 = arith.index_cast %scan3A_42 : i32 to index
        %get3A_124 = arith.constant 48 : index
        %get3A_125 = tpu.vector_load %arg13[%get3A_123, %get3A_124] {strides = array<i32>} : memref<40x128xf32, #tpu.memory_space<vmem>>, vector<16xf32>,
        %mul3A_126 = arith.mulf %get3A_125, %gather3A : vector<16xf32>
        %add3A_127 = arith.addf %mul3A_126, %get3A_122 : vector<16xf32>
        %max3A_128 = arith.constant 0.000000e+00 : f32
        %max3A_129 = vector.broadcast %max3A_128 : f32 to vector<16xf32>
        %max3A_130 = arith.maximumf %add3A_127, %max3A_129 : vector<16xf32>
        %swap3A_131 = arith.index_cast %scan3A_42 : i32 to index
        %swap3A_132 = arith.constant 48 : index
        %swap3A_133 = tpu.vector_load %arg14[%swap3A_131, %swap3A_132] {strides = array<i32>} : memref<40x144xf32, #tpu.memory_space<vmem>>, vector<16xf32>,
        tpu.vector_store %arg14[%swap3A_131, %swap3A_132], %max3A_130 {strides = array<i32>} : memref<40x144xf32, #tpu.memory_space<vmem>>, vector<16xf32>,
        %get3A_134 = arith.index_cast %scan3A_42 : i32 to index
        %get3A_135 = arith.constant 112 : index
        %get3A_136 = tpu.vector_load %arg13[%get3A_134, %get3A_135] {strides = array<i32>} : memref<40x128xf32, #tpu.memory_space<vmem>>, vector<16xf32>,
        %mul3A_137 = arith.mulf %get3A_136, %gather3A : vector<16xf32>
        %add3A_138 = arith.addf %mul3A_137, %get3A_122 : vector<16xf32>
        %max3A_139 = arith.constant 0.000000e+00 : f32
        %max3A_140 = vector.broadcast %max3A_139 : f32 to vector<16xf32>
        %max3A_141 = arith.maximumf %add3A_138, %max3A_140 : vector<16xf32>
        %swap3A_142 = arith.index_cast %scan3A_42 : i32 to index
        %swap3A_143 = arith.constant 112 : index
        %swap3A_144 = tpu.vector_load %arg14[%swap3A_142, %swap3A_143] {strides = array<i32>} : memref<40x144xf32, #tpu.memory_space<vmem>>, vector<16xf32>,
        tpu.vector_store %arg14[%swap3A_142, %swap3A_143], %max3A_141 {strides = array<i32>} : memref<40x144xf32, #tpu.memory_space<vmem>>, vector<16xf32>,
      }
      %scan3A_41 = arith.constant 40 : i32
      "tpu.region"() ({
        %run_scoped3A = tpu.sem_alloc : memref<!tpu.dma_semaphore, #tpu.memory_space<semaphore_mem>>
        %dma_start3A_42 = arith.constant 0 : i32
        %dma_start3A_43 = arith.constant 0 : i32
        %dma_start3A_44 = tpu.memref_slice %arg8[%dma_start3A_42, %dma_start3A_43] : memref<10000x144xf32, #tpu.memory_space<vmem_shared>> -> memref<10000x144xf32, #tpu.memory_space<vmem_shared>>
        tpu.enqueue_indirect_dma source(%arg14 : memref<40x144xf32, #tpu.memory_space<vmem>>) target(%dma_start3A_44 : memref<10000x144xf32, #tpu.memory_space<vmem_shared>>) offsets(%arg10 : memref<40xi32, #tpu.memory_space<vmem>>) semaphore(%run_scoped3A : memref<!tpu.dma_semaphore, #tpu.memory_space<semaphore_mem>>) {add = true}
        %dma_wait3A_45 = arith.constant 0 : i32
        %dma_wait3A_46 = arith.constant 0 : i32
        %dma_wait3A_47 = tpu.memref_slice %arg8[%dma_wait3A_45, %dma_wait3A_46] : memref<10000x144xf32, #tpu.memory_space<vmem_shared>> -> memref<10000x144xf32, #tpu.memory_space<vmem_shared>>
        tpu.wait_indirect_dma semaphore(%run_scoped3A : memref<!tpu.dma_semaphore, #tpu.memory_space<semaphore_mem>>) src(%arg14 : memref<40x144xf32, #tpu.memory_space<vmem>>) dst(%dma_wait3A_47 : memref<10000x144xf32, #tpu.memory_space<vmem_shared>>)
        tpu.yield
      }) : () -> ()
    }
    %scan3A_22 = arith.constant 125 : i32
    %barrier3A_23 = arith.constant 0 : index
    tpu.barrier barrier_id(%barrier3A_23)
    %mul3A_24 = arith.constant 625 : i32
    %mul3A_25 = arith.muli %arg1, %mul3A_24 : i32
    %mul3A_26 = arith.constant 625 : i32
    %mul3A_27 = arith.muli %arg1, %mul3A_26 : i32
    "tpu.region"() ({
      %run_scoped3A = tpu.sem_alloc : memref<!tpu.dma_semaphore, #tpu.memory_space<semaphore_mem>>
      %dma_start3A = arith.constant 0 : i32
      %dma_start3A_28 = tpu.memref_slice %arg7[%arg0, %mul3A_27, %dma_start3A] : memref<2x10000x144xf32, #tpu.memory_space<hbm>> -> memref<1x625x144xf32, #tpu.memory_space<hbm>>
      %dma_start3A_29 = tpu.memref_squeeze %dma_start3A_28 : memref<1x625x144xf32, #tpu.memory_space<hbm>> -> memref<625x144xf32, #tpu.memory_space<hbm>>
      %dma_start3A_30 = arith.constant 0 : i32
      %dma_start3A_31 = tpu.memref_slice %arg8[%mul3A_25, %dma_start3A_30] : memref<10000x144xf32, #tpu.memory_space<vmem_shared>> -> memref<625x144xf32, #tpu.memory_space<vmem_shared>>
      tpu.enqueue_dma source(%dma_start3A_31 : memref<625x144xf32, #tpu.memory_space<vmem_shared>>) target(%dma_start3A_29 : memref<625x144xf32, #tpu.memory_space<hbm>>) target_semaphore(%run_scoped3A : memref<!tpu.dma_semaphore, #tpu.memory_space<semaphore_mem>>)
      %dma_wait3A = arith.constant 0 : i32
      %dma_wait3A_32 = tpu.memref_slice %arg7[%arg0, %mul3A_27, %dma_wait3A] : memref<2x10000x144xf32, #tpu.memory_space<hbm>> -> memref<1x625x144xf32, #tpu.memory_space<hbm>>
      %dma_wait3A_33 = tpu.memref_squeeze %dma_wait3A_32 : memref<1x625x144xf32, #tpu.memory_space<hbm>> -> memref<625x144xf32, #tpu.memory_space<hbm>>
      %dma_wait3A_34 = arith.constant 0 : i32
      %dma_wait3A_35 = tpu.memref_slice %arg8[%mul3A_25, %dma_wait3A_34] : memref<10000x144xf32, #tpu.memory_space<vmem_shared>> -> memref<625x144xf32, #tpu.memory_space<vmem_shared>>
      tpu.wait_dma2 semaphore(%run_scoped3A : memref<!tpu.dma_semaphore, #tpu.memory_space<semaphore_mem>>) src(%dma_wait3A_35 : memref<625x144xf32, #tpu.memory_space<vmem_shared>>) dst(%dma_wait3A_33 : memref<625x144xf32, #tpu.memory_space<hbm>>)
      tpu.yield
    }) : () -> ()
    return
  }
}

module attributes {stable_mosaic.version = 14 : i64} {
  func.func @_edge_tc(%arg0: i32, %arg1: memref<1000x16xf32, #tpu.memory_space<vmem>>, %arg2: memref<16x64xf32, #tpu.memory_space<vmem>>, %arg3: memref<1x64xf32, #tpu.memory_space<vmem>>, %arg4: memref<64x64xf32, #tpu.memory_space<vmem>>, %arg5: memref<1x64xf32, #tpu.memory_space<vmem>>, %arg6: memref<64x1xf32, #tpu.memory_space<vmem>>, %arg7: memref<64x64xf32, #tpu.memory_space<vmem>>, %arg8: memref<1x64xf32, #tpu.memory_space<vmem>>, %arg9: memref<1000x1xf32, #tpu.memory_space<vmem>>, %arg10: memref<1000x64xf32, #tpu.memory_space<vmem>>) attributes {dimension_semantics = [#tpu.dimension_semantics<arbitrary>], iteration_bounds = array<i64: 160>, scalar_prefetch = 0 : i64, scratch_operands = 0 : i64, tpu.core_type = #tpu.core_type<tc>, window_params = [{transform_indices = @transform_0, window_bounds = array<i64: 1000, 16>}, {pipeline_mode = #tpu.pipeline_mode<synchronous>, transform_indices = @transform_1, window_bounds = array<i64: 16, 64>}, {pipeline_mode = #tpu.pipeline_mode<synchronous>, transform_indices = @transform_2, window_bounds = array<i64: 1, 64>}, {pipeline_mode = #tpu.pipeline_mode<synchronous>, transform_indices = @transform_3, window_bounds = array<i64: 64, 64>}, {pipeline_mode = #tpu.pipeline_mode<synchronous>, transform_indices = @transform_4, window_bounds = array<i64: 1, 64>}, {pipeline_mode = #tpu.pipeline_mode<synchronous>, transform_indices = @transform_5, window_bounds = array<i64: 64, 1>}, {pipeline_mode = #tpu.pipeline_mode<synchronous>, transform_indices = @transform_6, window_bounds = array<i64: 64, 64>}, {pipeline_mode = #tpu.pipeline_mode<synchronous>, transform_indices = @transform_7, window_bounds = array<i64: 1, 64>}, {transform_indices = @transform_8, window_bounds = array<i64: 1000, 1>}, {transform_indices = @transform_9, window_bounds = array<i64: 1000, 64>}]} {
    %get3A = arith.constant 0 : index
    %get3A_0 = arith.constant 0 : index
    %get3A_1 = vector.load %arg1[%get3A, %get3A_0] : memref<1000x16xf32, #tpu.memory_space<vmem>>, vector<1000x16xf32>
    %get3A_2 = arith.constant 0 : index
    %get3A_3 = arith.constant 0 : index
    %get3A_4 = vector.load %arg2[%get3A_2, %get3A_3] : memref<16x64xf32, #tpu.memory_space<vmem>>, vector<16x64xf32>
    %dot_general3A = arith.constant dense<0.000000e+00> : vector<1000x64xf32>
    %dot_general3A_5 = tpu.matmul %get3A_1, %get3A_4, %dot_general3A {dimension_numbers = #tpu.dot_dimension_numbers<[1], [0], [0], [1], [0, 0, 1, 1], [], []>, transpose_lhs_hint = false} : vector<1000x16xf32>, vector<16x64xf32>, vector<1000x64xf32> -> vector<1000x64xf32>
    %get3A_6 = arith.constant 0 : index
    %get3A_7 = arith.constant 0 : index
    %get3A_8 = vector.load %arg3[%get3A_6, %get3A_7] : memref<1x64xf32, #tpu.memory_space<vmem>>, vector<1x64xf32>
    %add3A = vector.broadcast %get3A_8 : vector<1x64xf32> to vector<1000x64xf32>
    %add3A_9 = arith.addf %dot_general3A_5, %add3A : vector<1000x64xf32>
    %max3A = arith.constant 0.000000e+00 : f32
    %max3A_10 = vector.broadcast %max3A : f32 to vector<1000x64xf32>
    %max3A_11 = arith.maximumf %add3A_9, %max3A_10 : vector<1000x64xf32>
    %get3A_12 = arith.constant 0 : index
    %get3A_13 = arith.constant 0 : index
    %get3A_14 = vector.load %arg4[%get3A_12, %get3A_13] : memref<64x64xf32, #tpu.memory_space<vmem>>, vector<64x64xf32>
    %dot_general3A_15 = arith.constant dense<0.000000e+00> : vector<1000x64xf32>
    %dot_general3A_16 = tpu.matmul %max3A_11, %get3A_14, %dot_general3A_15 {dimension_numbers = #tpu.dot_dimension_numbers<[1], [0], [0], [1], [0, 0, 1, 1], [], []>, transpose_lhs_hint = false} : vector<1000x64xf32>, vector<64x64xf32>, vector<1000x64xf32> -> vector<1000x64xf32>
    %get3A_17 = arith.constant 0 : index
    %get3A_18 = arith.constant 0 : index
    %get3A_19 = vector.load %arg5[%get3A_17, %get3A_18] : memref<1x64xf32, #tpu.memory_space<vmem>>, vector<1x64xf32>
    %add3A_20 = vector.broadcast %get3A_19 : vector<1x64xf32> to vector<1000x64xf32>
    %add3A_21 = arith.addf %dot_general3A_16, %add3A_20 : vector<1000x64xf32>
    %max3A_22 = arith.constant 0.000000e+00 : f32
    %max3A_23 = vector.broadcast %max3A_22 : f32 to vector<1000x64xf32>
    %max3A_24 = arith.maximumf %add3A_21, %max3A_23 : vector<1000x64xf32>
    %get3A_25 = arith.constant 0 : index
    %get3A_26 = arith.constant 0 : index
    %get3A_27 = vector.load %arg6[%get3A_25, %get3A_26] : memref<64x1xf32, #tpu.memory_space<vmem>>, vector<64x1xf32>
    %dot_general3A_28 = arith.constant dense<0.000000e+00> : vector<1000x1xf32>
    %dot_general3A_29 = tpu.matmul %max3A_24, %get3A_27, %dot_general3A_28 {dimension_numbers = #tpu.dot_dimension_numbers<[1], [0], [0], [1], [0, 0, 1, 1], [], []>, transpose_lhs_hint = false} : vector<1000x64xf32>, vector<64x1xf32>, vector<1000x1xf32> -> vector<1000x1xf32>
    %jit3A = arith.constant -6.000000e+01 : f32
    %jit3A_30 = arith.constant 6.000000e+01 : f32
    %max3A_31 = vector.broadcast %jit3A : f32 to vector<1000x1xf32>
    %max3A_32 = arith.maximumf %max3A_31, %dot_general3A_29 : vector<1000x1xf32>
    %min3A = vector.broadcast %jit3A_30 : f32 to vector<1000x1xf32>
    %min3A_33 = arith.minimumf %min3A, %max3A_32 : vector<1000x1xf32>
    %exp3A = math.exp %min3A_33 : vector<1000x1xf32>
    %swap3A = arith.constant 0 : index
    %swap3A_34 = arith.constant 0 : index
    %swap3A_35 = vector.load %arg9[%swap3A, %swap3A_34] : memref<1000x1xf32, #tpu.memory_space<vmem>>, vector<1000x1xf32>
    tpu.vector_store %arg9[%swap3A, %swap3A_34], %exp3A {strides = array<i32>} : memref<1000x1xf32, #tpu.memory_space<vmem>>, vector<1000x1xf32>,
    %get3A_36 = arith.constant 0 : index
    %get3A_37 = arith.constant 0 : index
    %get3A_38 = vector.load %arg7[%get3A_36, %get3A_37] : memref<64x64xf32, #tpu.memory_space<vmem>>, vector<64x64xf32>
    %dot_general3A_39 = arith.constant dense<0.000000e+00> : vector<1000x64xf32>
    %dot_general3A_40 = tpu.matmul %max3A_24, %get3A_38, %dot_general3A_39 {dimension_numbers = #tpu.dot_dimension_numbers<[1], [0], [0], [1], [0, 0, 1, 1], [], []>, transpose_lhs_hint = false} : vector<1000x64xf32>, vector<64x64xf32>, vector<1000x64xf32> -> vector<1000x64xf32>
    %get3A_41 = arith.constant 0 : index
    %get3A_42 = arith.constant 0 : index
    %get3A_43 = vector.load %arg8[%get3A_41, %get3A_42] : memref<1x64xf32, #tpu.memory_space<vmem>>, vector<1x64xf32>
    %add3A_44 = vector.broadcast %get3A_43 : vector<1x64xf32> to vector<1000x64xf32>
    %add3A_45 = arith.addf %dot_general3A_40, %add3A_44 : vector<1000x64xf32>
    %mul3A = vector.broadcast %exp3A : vector<1000x1xf32> to vector<1000x64xf32>
    %mul3A_46 = arith.mulf %mul3A, %add3A_45 : vector<1000x64xf32>
    %swap3A_47 = arith.constant 0 : index
    %swap3A_48 = arith.constant 0 : index
    %swap3A_49 = vector.load %arg10[%swap3A_47, %swap3A_48] : memref<1000x64xf32, #tpu.memory_space<vmem>>, vector<1000x64xf32>
    tpu.vector_store %arg10[%swap3A_47, %swap3A_48], %mul3A_46 {strides = array<i32>} : memref<1000x64xf32, #tpu.memory_space<vmem>>, vector<1000x64xf32>,
    return
  }
  func.func @transform_0(%arg0: i32) -> (i32, i32) {
    %c0_i32 = arith.constant 0 : i32
    %c0_i32_0 = arith.constant 0 : i32
    return %arg0, %c0_i32 : i32, i32
  }
  func.func @transform_1(%arg0: i32) -> (i32, i32) {
    %c0_i32 = arith.constant 0 : i32
    %c0_i32_0 = arith.constant 0 : i32
    %c0_i32_1 = arith.constant 0 : i32
    return %c0_i32, %c0_i32_0 : i32, i32
  }
  func.func @transform_2(%arg0: i32) -> (i32, i32) {
    %c0_i32 = arith.constant 0 : i32
    %c0_i32_0 = arith.constant 0 : i32
    %c0_i32_1 = arith.constant 0 : i32
    return %c0_i32, %c0_i32_0 : i32, i32
  }
  func.func @transform_3(%arg0: i32) -> (i32, i32) {
    %c0_i32 = arith.constant 0 : i32
    %c0_i32_0 = arith.constant 0 : i32
    %c0_i32_1 = arith.constant 0 : i32
    return %c0_i32, %c0_i32_0 : i32, i32
  }
  func.func @transform_4(%arg0: i32) -> (i32, i32) {
    %c0_i32 = arith.constant 0 : i32
    %c0_i32_0 = arith.constant 0 : i32
    %c0_i32_1 = arith.constant 0 : i32
    return %c0_i32, %c0_i32_0 : i32, i32
  }
  func.func @transform_5(%arg0: i32) -> (i32, i32) {
    %c0_i32 = arith.constant 0 : i32
    %c0_i32_0 = arith.constant 0 : i32
    %c0_i32_1 = arith.constant 0 : i32
    return %c0_i32, %c0_i32_0 : i32, i32
  }
  func.func @transform_6(%arg0: i32) -> (i32, i32) {
    %c0_i32 = arith.constant 0 : i32
    %c0_i32_0 = arith.constant 0 : i32
    %c0_i32_1 = arith.constant 0 : i32
    return %c0_i32, %c0_i32_0 : i32, i32
  }
  func.func @transform_7(%arg0: i32) -> (i32, i32) {
    %c0_i32 = arith.constant 0 : i32
    %c0_i32_0 = arith.constant 0 : i32
    %c0_i32_1 = arith.constant 0 : i32
    return %c0_i32, %c0_i32_0 : i32, i32
  }
  func.func @transform_8(%arg0: i32) -> (i32, i32) {
    %c0_i32 = arith.constant 0 : i32
    %c0_i32_0 = arith.constant 0 : i32
    return %arg0, %c0_i32 : i32, i32
  }
  func.func @transform_9(%arg0: i32) -> (i32, i32) {
    %c0_i32 = arith.constant 0 : i32
    %c0_i32_0 = arith.constant 0 : i32
    return %arg0, %c0_i32 : i32, i32
  }
}

module attributes {stable_mosaic.version = 14 : i64} {
  func.func @_node_tc(%arg0: i32, %arg1: memref<2x1000x128xf32, #tpu.memory_space<vmem>>, %arg2: memref<128x128xf32, #tpu.memory_space<vmem>>, %arg3: memref<1x64xf32, #tpu.memory_space<vmem>>, %arg4: memref<1000x128xf32, #tpu.memory_space<vmem>>, %arg5: memref<2x1000x64xf32, #tpu.memory_space<vmem>>) attributes {dimension_semantics = [#tpu.dimension_semantics<arbitrary>], iteration_bounds = array<i64: 10>, scalar_prefetch = 0 : i64, scratch_operands = 0 : i64, tpu.core_type = #tpu.core_type<tc>, window_params = [{transform_indices = @transform_0, window_bounds = array<i64: 2, 1000, 128>}, {pipeline_mode = #tpu.pipeline_mode<synchronous>, transform_indices = @transform_1, window_bounds = array<i64: 128, 128>}, {pipeline_mode = #tpu.pipeline_mode<synchronous>, transform_indices = @transform_2, window_bounds = array<i64: 1, 64>}, {transform_indices = @transform_3, window_bounds = array<i64: 1000, 128>}, {transform_indices = @transform_4, window_bounds = array<i64: 2, 1000, 64>}]} {
    %get3A = arith.constant 0 : index
    %get3A_0 = arith.constant 0 : index
    %get3A_1 = arith.constant 0 : index
    %get3A_2 = vector.load %arg1[%get3A, %get3A_0, %get3A_1] : memref<2x1000x128xf32, #tpu.memory_space<vmem>>, vector<2x1000x128xf32>
    %slice3A = vector.extract_strided_slice %get3A_2 {offsets = [0, 0, 0], sizes = [1, 1000, 128], strides = [1, 1, 1]} : vector<2x1000x128xf32> to vector<1x1000x128xf32>
    %squeeze3A = vector.shape_cast %slice3A : vector<1x1000x128xf32> to vector<1000x128xf32>
    %get3A_3 = arith.constant 0 : index
    %get3A_4 = arith.constant 0 : index
    %get3A_5 = vector.load %arg2[%get3A_3, %get3A_4] : memref<128x128xf32, #tpu.memory_space<vmem>>, vector<128x128xf32>
    %dot_general3A = arith.constant dense<0.000000e+00> : vector<1000x128xf32>
    %dot_general3A_6 = tpu.matmul %squeeze3A, %get3A_5, %dot_general3A {dimension_numbers = #tpu.dot_dimension_numbers<[1], [0], [0], [1], [0, 0, 1, 1], [], []>, transpose_lhs_hint = false} : vector<1000x128xf32>, vector<128x128xf32>, vector<1000x128xf32> -> vector<1000x128xf32>
    %slice3A_7 = vector.extract_strided_slice %get3A_2 {offsets = [1, 0, 0], sizes = [1, 1000, 128], strides = [1, 1, 1]} : vector<2x1000x128xf32> to vector<1x1000x128xf32>
    %squeeze3A_8 = vector.shape_cast %slice3A_7 : vector<1x1000x128xf32> to vector<1000x128xf32>
    %get3A_9 = arith.constant 0 : index
    %get3A_10 = arith.constant 0 : index
    %get3A_11 = vector.load %arg2[%get3A_9, %get3A_10] : memref<128x128xf32, #tpu.memory_space<vmem>>, vector<128x128xf32>
    %dot_general3A_12 = arith.constant dense<0.000000e+00> : vector<1000x128xf32>
    %dot_general3A_13 = tpu.matmul %squeeze3A_8, %get3A_11, %dot_general3A_12 {dimension_numbers = #tpu.dot_dimension_numbers<[1], [0], [0], [1], [0, 0, 1, 1], [], []>, transpose_lhs_hint = false} : vector<1000x128xf32>, vector<128x128xf32>, vector<1000x128xf32> -> vector<1000x128xf32>
    %slice3A_14 = vector.extract_strided_slice %dot_general3A_6 {offsets = [0, 0], sizes = [1000, 64], strides = [1, 1]} : vector<1000x128xf32> to vector<1000x64xf32>
    %slice3A_15 = vector.extract_strided_slice %dot_general3A_13 {offsets = [0, 0], sizes = [1000, 64], strides = [1, 1]} : vector<1000x128xf32> to vector<1000x64xf32>
    %concatenate3A = tpu.concatenate %slice3A_14, %slice3A_15 in 1 : vector<1000x64xf32>, vector<1000x64xf32> -> vector<1000x128xf32>
    %swap3A = arith.constant 0 : index
    %swap3A_16 = arith.constant 0 : index
    %swap3A_17 = vector.load %arg4[%swap3A, %swap3A_16] : memref<1000x128xf32, #tpu.memory_space<vmem>>, vector<1000x128xf32>
    tpu.vector_store %arg4[%swap3A, %swap3A_16], %concatenate3A {strides = array<i32>} : memref<1000x128xf32, #tpu.memory_space<vmem>>, vector<1000x128xf32>,
    %slice3A_18 = vector.extract_strided_slice %dot_general3A_6 {offsets = [0, 64], sizes = [1000, 64], strides = [1, 1]} : vector<1000x128xf32> to vector<1000x64xf32>
    %get3A_19 = arith.constant 0 : index
    %get3A_20 = arith.constant 0 : index
    %get3A_21 = vector.load %arg3[%get3A_19, %get3A_20] : memref<1x64xf32, #tpu.memory_space<vmem>>, vector<1x64xf32>
    %add3A = vector.broadcast %get3A_21 : vector<1x64xf32> to vector<1000x64xf32>
    %add3A_22 = arith.addf %slice3A_18, %add3A : vector<1000x64xf32>
    %slice3A_23 = vector.extract_strided_slice %dot_general3A_13 {offsets = [0, 64], sizes = [1000, 64], strides = [1, 1]} : vector<1000x128xf32> to vector<1000x64xf32>
    %get3A_24 = arith.constant 0 : index
    %get3A_25 = arith.constant 0 : index
    %get3A_26 = vector.load %arg3[%get3A_24, %get3A_25] : memref<1x64xf32, #tpu.memory_space<vmem>>, vector<1x64xf32>
    %add3A_27 = vector.broadcast %get3A_26 : vector<1x64xf32> to vector<1000x64xf32>
    %add3A_28 = arith.addf %slice3A_23, %add3A_27 : vector<1000x64xf32>
    %stack3A = vector.shape_cast %add3A_22 : vector<1000x64xf32> to vector<1x1000x64xf32>
    %stack3A_29 = vector.shape_cast %add3A_28 : vector<1000x64xf32> to vector<1x1000x64xf32>
    %stack3A_30 = tpu.concatenate %stack3A, %stack3A_29 in 0 : vector<1x1000x64xf32>, vector<1x1000x64xf32> -> vector<2x1000x64xf32>
    %swap3A_31 = arith.constant 0 : index
    %swap3A_32 = arith.constant 0 : index
    %swap3A_33 = arith.constant 0 : index
    %swap3A_34 = vector.load %arg5[%swap3A_31, %swap3A_32, %swap3A_33] : memref<2x1000x64xf32, #tpu.memory_space<vmem>>, vector<2x1000x64xf32>
    tpu.vector_store %arg5[%swap3A_31, %swap3A_32, %swap3A_33], %stack3A_30 {strides = array<i32>} : memref<2x1000x64xf32, #tpu.memory_space<vmem>>, vector<2x1000x64xf32>,
    return
  }
  func.func @transform_0(%arg0: i32) -> (i32, i32, i32) {
    %c0_i32 = arith.constant 0 : i32
    %c0_i32_0 = arith.constant 0 : i32
    %c0_i32_1 = arith.constant 0 : i32
    return %c0_i32, %arg0, %c0_i32_0 : i32, i32, i32
  }
  func.func @transform_1(%arg0: i32) -> (i32, i32) {
    %c0_i32 = arith.constant 0 : i32
    %c0_i32_0 = arith.constant 0 : i32
    %c0_i32_1 = arith.constant 0 : i32
    return %c0_i32, %c0_i32_0 : i32, i32
  }
  func.func @transform_2(%arg0: i32) -> (i32, i32) {
    %c0_i32 = arith.constant 0 : i32
    %c0_i32_0 = arith.constant 0 : i32
    %c0_i32_1 = arith.constant 0 : i32
    return %c0_i32, %c0_i32_0 : i32, i32
  }
  func.func @transform_3(%arg0: i32) -> (i32, i32) {
    %c0_i32 = arith.constant 0 : i32
    %c0_i32_0 = arith.constant 0 : i32
    return %arg0, %c0_i32 : i32, i32
  }
  func.func @transform_4(%arg0: i32) -> (i32, i32, i32) {
    %c0_i32 = arith.constant 0 : i32
    %c0_i32_0 = arith.constant 0 : i32
    %c0_i32_1 = arith.constant 0 : i32
    return %c0_i32, %arg0, %c0_i32_0 : i32, i32, i32
  }
}

module attributes {stable_mosaic.version = 14 : i64} {
  func.func @_final_tc(%arg0: i32, %arg1: memref<2x1000x144xf32, #tpu.memory_space<vmem>>, %arg2: memref<2x1000x64xf32, #tpu.memory_space<vmem>>, %arg3: memref<128x128xf32, #tpu.memory_space<vmem>>, %arg4: memref<1x128xf32, #tpu.memory_space<vmem>>, %arg5: memref<2x1000x64xf32, #tpu.memory_space<vmem>>) attributes {dimension_semantics = [#tpu.dimension_semantics<arbitrary>], iteration_bounds = array<i64: 10>, scalar_prefetch = 0 : i64, scratch_operands = 0 : i64, tpu.core_type = #tpu.core_type<tc>, window_params = [{transform_indices = @transform_0, window_bounds = array<i64: 2, 1000, 144>}, {transform_indices = @transform_1, window_bounds = array<i64: 2, 1000, 64>}, {pipeline_mode = #tpu.pipeline_mode<synchronous>, transform_indices = @transform_2, window_bounds = array<i64: 128, 128>}, {pipeline_mode = #tpu.pipeline_mode<synchronous>, transform_indices = @transform_3, window_bounds = array<i64: 1, 128>}, {transform_indices = @transform_4, window_bounds = array<i64: 2, 1000, 64>}]} {
    %get3A = arith.constant 0 : index
    %get3A_0 = arith.constant 0 : index
    %get3A_1 = arith.constant 0 : index
    %get3A_2 = vector.load %arg1[%get3A, %get3A_0, %get3A_1] : memref<2x1000x144xf32, #tpu.memory_space<vmem>>, vector<2x1000x144xf32>
    %slice3A = vector.extract_strided_slice %get3A_2 {offsets = [0, 0, 0], sizes = [1, 1000, 144], strides = [1, 1, 1]} : vector<2x1000x144xf32> to vector<1x1000x144xf32>
    %squeeze3A = vector.shape_cast %slice3A : vector<1x1000x144xf32> to vector<1000x144xf32>
    %slice3A_3 = vector.extract_strided_slice %get3A_2 {offsets = [1, 0, 0], sizes = [1, 1000, 144], strides = [1, 1, 1]} : vector<2x1000x144xf32> to vector<1x1000x144xf32>
    %squeeze3A_4 = vector.shape_cast %slice3A_3 : vector<1x1000x144xf32> to vector<1000x144xf32>
    %add3A = arith.addf %squeeze3A, %squeeze3A_4 : vector<1000x144xf32>
    %slice3A_5 = vector.extract_strided_slice %add3A {offsets = [0, 128], sizes = [1000, 1], strides = [1, 1]} : vector<1000x144xf32> to vector<1000x1xf32>
    %jit3A = arith.constant 9.99999996E-13 : f32
    %max3A = vector.broadcast %jit3A : f32 to vector<1000x1xf32>
    %max3A_6 = arith.maximumf %max3A, %slice3A_5 : vector<1000x1xf32>
    %get3A_7 = arith.constant 0 : index
    %get3A_8 = arith.constant 0 : index
    %get3A_9 = arith.constant 0 : index
    %get3A_10 = vector.load %arg2[%get3A_7, %get3A_8, %get3A_9] : memref<2x1000x64xf32, #tpu.memory_space<vmem>>, vector<2x1000x64xf32>
    %slice3A_11 = vector.extract_strided_slice %add3A {offsets = [0, 0], sizes = [1000, 64], strides = [1, 1]} : vector<1000x144xf32> to vector<1000x64xf32>
    %div3A = vector.broadcast %max3A_6 : vector<1000x1xf32> to vector<1000x64xf32>
    %div3A_12 = arith.divf %slice3A_11, %div3A : vector<1000x64xf32>
    %slice3A_13 = vector.extract_strided_slice %get3A_10 {offsets = [0, 0, 0], sizes = [1, 1000, 64], strides = [1, 1, 1]} : vector<2x1000x64xf32> to vector<1x1000x64xf32>
    %squeeze3A_14 = vector.shape_cast %slice3A_13 : vector<1x1000x64xf32> to vector<1000x64xf32>
    %add3A_15 = arith.addf %div3A_12, %squeeze3A_14 : vector<1000x64xf32>
    %max3A_16 = arith.constant 0.000000e+00 : f32
    %max3A_17 = vector.broadcast %max3A_16 : f32 to vector<1000x64xf32>
    %max3A_18 = arith.maximumf %add3A_15, %max3A_17 : vector<1000x64xf32>
    %slice3A_19 = vector.extract_strided_slice %add3A {offsets = [0, 64], sizes = [1000, 64], strides = [1, 1]} : vector<1000x144xf32> to vector<1000x64xf32>
    %div3A_20 = vector.broadcast %max3A_6 : vector<1000x1xf32> to vector<1000x64xf32>
    %div3A_21 = arith.divf %slice3A_19, %div3A_20 : vector<1000x64xf32>
    %slice3A_22 = vector.extract_strided_slice %get3A_10 {offsets = [1, 0, 0], sizes = [1, 1000, 64], strides = [1, 1, 1]} : vector<2x1000x64xf32> to vector<1x1000x64xf32>
    %squeeze3A_23 = vector.shape_cast %slice3A_22 : vector<1x1000x64xf32> to vector<1000x64xf32>
    %add3A_24 = arith.addf %div3A_21, %squeeze3A_23 : vector<1000x64xf32>
    %max3A_25 = arith.constant 0.000000e+00 : f32
    %max3A_26 = vector.broadcast %max3A_25 : f32 to vector<1000x64xf32>
    %max3A_27 = arith.maximumf %add3A_24, %max3A_26 : vector<1000x64xf32>
    %concatenate3A = tpu.concatenate %max3A_18, %max3A_27 in 1 : vector<1000x64xf32>, vector<1000x64xf32> -> vector<1000x128xf32>
    %get3A_28 = arith.constant 0 : index
    %get3A_29 = arith.constant 0 : index
    %get3A_30 = vector.load %arg3[%get3A_28, %get3A_29] : memref<128x128xf32, #tpu.memory_space<vmem>>, vector<128x128xf32>
    %dot_general3A = arith.constant dense<0.000000e+00> : vector<1000x128xf32>
    %dot_general3A_31 = tpu.matmul %concatenate3A, %get3A_30, %dot_general3A {dimension_numbers = #tpu.dot_dimension_numbers<[1], [0], [0], [1], [0, 0, 1, 1], [], []>, transpose_lhs_hint = false} : vector<1000x128xf32>, vector<128x128xf32>, vector<1000x128xf32> -> vector<1000x128xf32>
    %get3A_32 = arith.constant 0 : index
    %get3A_33 = arith.constant 0 : index
    %get3A_34 = vector.load %arg4[%get3A_32, %get3A_33] : memref<1x128xf32, #tpu.memory_space<vmem>>, vector<1x128xf32>
    %add3A_35 = vector.broadcast %get3A_34 : vector<1x128xf32> to vector<1000x128xf32>
    %add3A_36 = arith.addf %dot_general3A_31, %add3A_35 : vector<1000x128xf32>
    %slice3A_37 = vector.extract_strided_slice %add3A_36 {offsets = [0, 0], sizes = [1000, 64], strides = [1, 1]} : vector<1000x128xf32> to vector<1000x64xf32>
    %slice3A_38 = vector.extract_strided_slice %add3A_36 {offsets = [0, 64], sizes = [1000, 64], strides = [1, 1]} : vector<1000x128xf32> to vector<1000x64xf32>
    %stack3A = vector.shape_cast %slice3A_37 : vector<1000x64xf32> to vector<1x1000x64xf32>
    %stack3A_39 = vector.shape_cast %slice3A_38 : vector<1000x64xf32> to vector<1x1000x64xf32>
    %stack3A_40 = tpu.concatenate %stack3A, %stack3A_39 in 0 : vector<1x1000x64xf32>, vector<1x1000x64xf32> -> vector<2x1000x64xf32>
    %swap3A = arith.constant 0 : index
    %swap3A_41 = arith.constant 0 : index
    %swap3A_42 = arith.constant 0 : index
    %swap3A_43 = vector.load %arg5[%swap3A, %swap3A_41, %swap3A_42] : memref<2x1000x64xf32, #tpu.memory_space<vmem>>, vector<2x1000x64xf32>
    tpu.vector_store %arg5[%swap3A, %swap3A_41, %swap3A_42], %stack3A_40 {strides = array<i32>} : memref<2x1000x64xf32, #tpu.memory_space<vmem>>, vector<2x1000x64xf32>,
    return
  }
  func.func @transform_0(%arg0: i32) -> (i32, i32, i32) {
    %c0_i32 = arith.constant 0 : i32
    %c0_i32_0 = arith.constant 0 : i32
    %c0_i32_1 = arith.constant 0 : i32
    return %c0_i32, %arg0, %c0_i32_0 : i32, i32, i32
  }
  func.func @transform_1(%arg0: i32) -> (i32, i32, i32) {
    %c0_i32 = arith.constant 0 : i32
    %c0_i32_0 = arith.constant 0 : i32
    %c0_i32_1 = arith.constant 0 : i32
    return %c0_i32, %arg0, %c0_i32_0 : i32, i32, i32
  }
  func.func @transform_2(%arg0: i32) -> (i32, i32) {
    %c0_i32 = arith.constant 0 : i32
    %c0_i32_0 = arith.constant 0 : i32
    %c0_i32_1 = arith.constant 0 : i32
    return %c0_i32, %c0_i32_0 : i32, i32
  }
  func.func @transform_3(%arg0: i32) -> (i32, i32) {
    %c0_i32 = arith.constant 0 : i32
    %c0_i32_0 = arith.constant 0 : i32
    %c0_i32_1 = arith.constant 0 : i32
    return %c0_i32, %c0_i32_0 : i32, i32
  }
  func.func @transform_4(%arg0: i32) -> (i32, i32, i32) {
    %c0_i32 = arith.constant 0 : i32
    %c0_i32_0 = arith.constant 0 : i32
    %c0_i32_1 = arith.constant 0 : i32
    return %c0_i32, %arg0, %c0_i32_0 : i32, i32, i32
  }
}

</mosaic_0001>

<sc_bundles>
// kernel: kernel.6.cloned.1.call-start
scs
__scs_entry_jumppad:
0x0: {  	(pc) =	sbr.rel $0x88, $3  }
0x1: {  	(tag) =	ssettag $0x0;
	lr =	simm.s32 $0x1  }
0x2: {  	[smem:$0x3F93] =	sst lr;
	_ =	strace $0xD0000000  }
0x3: {  	_ = 	snop  }
0x4: {  	_ = 	snop  }
0x5: {  	_ = 	snop  }
0x6: {  	_ = 	snop  }
0x7: {  	_ = 	snop  }
__scs_overlays_trampoline_lowered:
0x8: {  	[smem:$0x3FA2] =	sst s0  }
0x9: {  	[smem:$0x3FA3] =	sst s1  }
0xa: {  	[smem:$0x3FA4] =	sst s2  }
0xb: {  	[smem:$0x3FA5] =	sst s3  }
0xc: {  	[smem:$0x3FA6] =	sst s4  }
0xd: {  	[smem:$0x3FA7] =	sst s5  }
0xe: {  	[smem:$0x3FA8] =	sst s6  }
0xf: {  	[smem:$0x3FA9] =	sst s7  }
0x10: {  	[smem:$0x3FAA] =	sst s8  }
0x11: {  	[smem:$0x3FAB] =	sst s9;
	s0 =	simm.s32 @!p0 $0x0  }
0x12: {  	s1 =	sld [smem:$0x3F91];
	s0 =	simm.s32 @p0 $0x1  }
0x13: {  	[smem:$0x3FAC] =	sst s0;
	s0 =	simm.s32 @!p1 $0x0  }
0x14: {  	s2 =	sld [smem:$0x3F90];
	s0 =	simm.s32 @p1 $0x1  }
0x15: {  	[smem:$0x3FAD] =	sst s0;
	s0 =	simm.s32 @!p2 $0x0  }
0x16: {  	s3 =	sld [smem:$0x3FDB];
	s0 =	simm.s32 @p2 $0x1  }
0x17: {  	s4 =	simm.s32 $0x1BF5;
	[smem:$0x3FAF] =	sst s0  }
0x18: {  	s0 =	sld [smem:$0x3F92];
	_ =	swait.ge [sflag:s4], $0x0  }
0x19: {  	s7 =	sld [smem:$0x3F93]  }
0x1a: {  	s8 =	sadd.s32 $0xFFFFE003, lr  }
0x1b: {  	s9 =	sadd.s32 $0xFFFFFEF7, lr;
	s5 =	simm.s32 $0xFFFFFFFF;
	p2 =	slt.u32 s8, $0xFFFFF086  }
0x1c: {  	p1 =	slt.u32 s9, $0xF7A;
	s5 =	simm.s32 @!p2 $0x0  }
0x1d: {  	s5 =	simm.s32 @p1 $0x1;
	p0 =	seq.s32 s7, s2  }
0x1e: {  	s7 =	smul.u32 @!p0 $0xF7A, s2;
	p2 =	seq.s32 @!p0 s5, $0x0  }
0x1f: {  	s9 =	smul.u32 $0xF7A, s1;
	s8 =	simm.s32 @!p0 $0x1BF5;
	p2 =	por !p2, p0  }
0x20: {  	[sflag:s8] =	ssyncset.s32 @!p0 $0xFFFFF086;
	s6 =	sadd.s32 @!p0 s3, s7;
	s7 =	simm.s32 @!p0 $0x108  }
0x21: {  	s3 =	sadd.s32 s3, s9;
	s6 =	sadd.s32 @!p0 $0x88, s6;
	s7 =	simm.s32 @p2 $0x1082  }
0x22: {  	[simem:s7], [sflag:s8] =	dma.local @!p0 [hbm:s6], $0xF7A  }
0x23: {  	s9 =	sor.u32 $0xD0000000, s2;
	s6 =	simm.s32 $0x108;
	_ =	swait.ge @!p0 [sflag:s8], $0x0  }
0x24: {  	s3 =	sadd.s32 $0x88, s3;
	s6 =	simm.s32 @!p1 $0x1082;
	[sflag:s4] =	ssyncset.s32 $0xFFFFF086  }
0x25: {  	[simem:s6], [sflag:s4] =	dma.local [hbm:s3], $0xF7A  }
0x26: {  	[smem:$0x3F93] =	sst s1;
	(tag) =	ssettag s2;
	_ =	strace s9  }
0x27: {  	s1 =	sld [smem:$0x3FA3]  }
0x28: {  	s2 =	sld [smem:$0x3FA4]  }
0x29: {  	s4 =	sld [smem:$0x3FA6]  }
0x2a: {  	p0 =	seq.s32 s5, $0x0;
	s5 =	sld [smem:$0x3FA7]  }
0x2b: {  	s6 =	sld [smem:$0x3FA8]  }
0x2c: {  	s7 =	sld [smem:$0x3FA9]  }
0x2d: {  	s3 =	simm.s32 $0x108;
	s8 =	sld [smem:$0x3FAA]  }
0x2e: {  	s3 =	simm.s32 @!p0 $0x1082;
	s9 =	sld [smem:$0x3FAB]  }
0x2f: {  	lr =	sadd.s32 s0, s3;
	s0 =	sld [smem:$0x3FA2]  }
0x30: {  	s3 =	sld [smem:$0x3FA5]  }
0x31: {  	[smem:$0x3FAE] =	sst s10  }
0x32: {  	s10 =	sld [smem:$0x3FAC];
	_ =	sdelay $0x3  }
0x33: {  	p0 =	seq.s32 s10, $0x1;
	s10 =	sld [smem:$0x3FAE];
	_ =	sdelay $0x3  }
0x34: {  	[smem:$0x3FAE] =	sst s10  }
0x35: {  	s10 =	sld [smem:$0x3FAD];
	_ =	sdelay $0x3  }
0x36: {  	p1 =	seq.s32 s10, $0x1;
	s10 =	sld [smem:$0x3FAE];
	_ =	sdelay $0x3  }
0x37: {  	[smem:$0x3FAE] =	sst s10  }
0x38: {  	s10 =	sld [smem:$0x3FAF]  }
0x39: {  	_ = 	snop;
	(pc) =	sbr.ind lr, $3  }
0x3a: {  	_ = 	snop  }
0x3b: {  	_ = 	snop  }
0x3c: {  	p2 =	seq.s32 s10, $0x1;
	s10 =	sld [smem:$0x3FAE]  }
0x3d: {  	_ =	shalt  }
0x3e: {  	_ =	shalt  }
0x3f: {  	_ =	shalt  }
0x40: {  	_ =	shalt  }
0x41: {  	_ =	shalt  }
0x42: {  	_ =	shalt  }
0x43: {  	_ =	shalt  }
0x44: {  	_ =	shalt  }
0x45: {  	_ =	shalt  }
0x46: {  	_ =	shalt  }
0x47: {  	_ =	shalt  }
0x48: {  	_ =	shalt  }
0x49: {  	_ =	shalt  }
0x4a: {  	_ =	shalt  }
0x4b: {  	_ =	shalt  }
0x4c: {  	_ =	shalt  }
0x4d: {  	_ =	shalt  }
0x4e: {  	_ =	shalt  }
0x4f: {  	_ =	shalt  }
0x50: {  	_ =	shalt  }
0x51: {  	_ =	shalt  }
0x52: {  	_ =	shalt  }
0x53: {  	_ =	shalt  }
0x54: {  	_ =	shalt  }
0x55: {  	_ =	shalt  }
0x56: {  	_ =	shalt  }
0x57: {  	_ =	shalt  }
0x58: {  	_ =	shalt  }
0x59: {  	_ =	shalt  }
0x5a: {  	_ =	shalt  }
0x5b: {  	_ =	shalt  }
0x5c: {  	_ =	shalt  }
0x5d: {  	_ =	shalt  }
0x5e: {  	_ =	shalt  }
0x5f: {  	_ =	shalt  }
0x60: {  	_ =	shalt  }
0x61: {  	_ =	shalt  }
0x62: {  	_ =	shalt  }
0x63: {  	_ =	shalt  }
0x64: {  	_ =	shalt  }
0x65: {  	_ =	shalt  }
0x66: {  	_ =	shalt  }
0x67: {  	_ =	shalt  }
0x68: {  	_ =	shalt  }
0x69: {  	_ =	shalt  }
0x6a: {  	_ =	shalt  }
0x6b: {  	_ =	shalt  }
0x6c: {  	_ =	shalt  }
0x6d: {  	_ =	shalt  }
0x6e: {  	_ =	shalt  }
0x6f: {  	_ =	shalt  }
0x70: {  	_ =	shalt  }
0x71: {  	_ =	shalt  }
0x72: {  	_ =	shalt  }
0x73: {  	_ =	shalt  }
0x74: {  	_ =	shalt  }
0x75: {  	_ =	shalt  }
0x76: {  	_ =	shalt  }
0x77: {  	_ =	shalt  }
0x78: {  	_ =	shalt  }
0x79: {  	_ =	shalt  }
0x7a: {  	_ =	shalt  }
0x7b: {  	_ =	shalt  }
0x7c: {  	_ =	shalt  }
0x7d: {  	_ =	shalt  }
0x7e: {  	_ =	shalt  }
0x7f: {  	_ =	shalt  }
0x80: {  	_ =	shalt  }
0x81: {  	_ =	shalt  }
0x82: {  	_ =	shalt  }
0x83: {  	_ =	shalt  }
0x84: {  	_ =	shalt  }
0x85: {  	_ =	shalt  }
0x86: {  	_ =	shalt  }
0x87: {  	_ =	shalt  }
.Lfunc_end0:
.L_simem_size_0:
called_computation_lowered:
.L_overlay_start_0:
0x88: {  	s2 =	sld [smem:$0x3FD9]  }
0x89: {  	s3 =	sld [smem:$0x3FFE];
	_ =	sdelay $0x1  }
0x8a: {  	s1 =	srdreg.scid  }
0x8b: {  	s0 =	sand.u32 $0x1, s1  }
0x8c: {  	s17 =	sshll.u32 s0, $0xA;
	s2 =	sadd.s32 s3, s2  }
0x8d: {  	s2 =	sadd.s32 s2, s17  }
0x8e: {  	[smem:$0x3FBA] =	sst s2  }
0x8f: {  	_ = 	snop  }
0x90: {  	s2 =	sld [smem:$0x3FD0];
	(tm) =	ssettm $0x1  }
0x91: {  	s18 =	sld [smem:$0x3FFB];
	_ =	sdelay $0x3  }
0x92: {  	_ =	strace s18  }
0x93: {  	s3 =	sld [smem:$0x3FFC];
	_ =	sdelay $0x3  }
0x94: {  	_ =	strace s3  }
0x95: {  	s3 =	sld [smem:$0x3FFD];
	_ =	sdelay $0x3  }
0x96: {  	_ =	strace s3  }
0x97: {  	_ =	strace $0x8FFFFFFF  }
0x98: {  	s19 =	sld [smem:$0x3FDB];
	_ =	sdelay $0x1  }
0x99: {  	s4 =	simm.s32 $_scs_section_size  }
0x9a: {  	s5 =	simm.s32 $_size__tile_overlayer_lowered;
	s6 =	simm.s32 $_tile_overlayer_lowered  }
0x9b: {  	s22 =	simm.s32 $0x1BFF;
	s21 =	sshll.u32 s6, $0x1;
	s3 =	sadd.s32 s4, s19  }
0x9c: {  	s7 =	simm.s32 $0x0;
	s20 =	sshll.u32 s5, $0x1;
	s5 =	sadd.s32 s21, s3  }
0x9d: {  	[timem:s7], [sflag:s22] =	dma.local [hbm:s5], s20  }
0x9e: {  	_ =	swait.ge [sflag:s22], s20  }
0x9f: {  	s4 =	ssub.s32 $0x0, s20;
	[sflag:s22] =	ssyncset.done $0x0  }
0xa0: {  	[sflag:s22] =	ssyncadd.s32 s4;
	_ =	sdelay $0x1  }
0xa1: {  	s23 =	simm.s32 $0x1B8B  }
0xa2: {  	_ =	swait.ge [sflag:s23], $0x1  }
0xa3: {  	[sflag:s23] =	ssyncset.done $0x0  }
0xa4: {  	s25 =	simm.s32 $0x1B8E;
	s24 =	sld [smem:$0x3FFE];
	[sflag:s23] =	ssyncadd.s32 $0xFFFFFFFF  }
0xa5: {  	s26 =	simm.s32 $execute0_lowered;
	[smem:$0x3FD2] =	sst s25  }
0xa6: {  	s5 =	sshll.u32 s26, $0x1;
	_ =	strace $0x80000046;
	[dreg:$0x1] =	wrdreg $0xFFFFFFFF  }
0xa7: {  	s28 =	simm.s32 $_size_execute0_lowered;
	s3 =	sadd.s32 s3, s5;
	[dreg:$0x0] =	wrdreg $0x0  }
0xa8: {  	s5 =	sshll.u32 s28, $0x1;
	[dreg:$0x2] =	wrdreg s3  }
0xa9: {  	[dreg:$0x3] =	wrdreg s5  }
0xaa: {  	[dreg:$0x4] =	wrdreg $0xC0  }
0xab: {  	_ =	task [dreg:s7], $0x5FFFF  }
0xac: {  	[dreg:$0x1] =	wrdreg $0xFFFFFFFF  }
0xad: {  	[dreg:$0x0] =	wrdreg $0x60  }
0xae: {  	[dreg:$0x2] =	wrdreg s2  }
0xaf: {  	[dreg:$0x3] =	wrdreg s24  }
0xb0: {  	[dreg:$0x4] =	wrdreg $0x0  }
0xb1: {  	[dreg:$0x5] =	wrdreg $0x9  }
0xb2: {  	_ =	task.clear_ibuf [dreg:s7], $0x6FFFF;
	_ =	strace $0x90000046  }
0xb3: {  	s29 =	simm.s32 $0x9;
	_ =	strace $0x80000048  }
0xb4: {  	_ =	swait.ge [sflag:s29], $0x1  }
0xb5: {  	[sflag:s29] =	ssyncadd.s32 $0xFFFFFFFF  }
0xb6: {  	_ =	strace $0x90000048  }
0xb7: {  	_ =	sfence  }
0xb8: {  	s30 =	sld [smem:$0x0];
	_ =	sdelay $0x2  }
0xb9: {  	s31 =	sshll.u32 s1, $0xD;
	s1 =	sshrl.u32 s1, $0x2  }
0xba: {  	s3 =	sand.u32 $0x4000, s31;
	s1 =	sadd.s32 s1, s30  }
0xbb: {  	s0 =	sor.u32 s3, s0;
	s1 =	sshll.u32 s1, $0x11  }
0xbc: {  	s0 =	sor.u32 s1, s0  }
0xbd: {  	s0 =	sadd.s32 $0x8F2B, s0  }
0xbe: {  	[sflag:s0] =	ssyncadd.remote.s32 $0x1  }
0xbf: {  	_ =	sfence.sel $0xFFFF  }
0xc0: {  	[dreg:$0x0] =	wrdreg $0xFFFFFFFF;
	(pc) =	sbr.abs _section_cstart, $3  }
0xc1: {  	[dreg:$0x1] =	wrdreg $0xFFFFFFFF  }
0xc2: {  	_ =	task.clear_ibuf [dreg:s7], $0x2FFFF;
	_ =	strace $0x9FFFFFFF  }
0xc3: {  	(tm) =	ssettm $0x7FFFFFFF  }
tec
execute0_lowered:
.L_overlay_start_1:
0x0: {  	(tag) =	ssettag $0x1  }
0x1: {  	s1 =	rddreg [dreg:$0x0]  }
0x2: {  	s9 =	rddreg [dreg:$0x1]  }
0x3: {  	s2 =	rddreg [dreg:$0x2]  }
0x4: {  	s0 =	rddreg [dreg:$0x3];
	s4 =	simm.s32 $0x0  }
0x5: {  	s3 =	srdreg.scid;
	s16 =	simm.s32 $0x15FB8;
	s17 =	simm.s32 $0x15FE0  }
0x6: {  	s18 =	simm.s32 $0x16008;
	s19 =	simm.s32 $0x28;
	s20 =	simm.s32 $0x16A08  }
0x7: {  	s21 =	simm.s32 $0x1;
	[smem:$0x7FF] =	sst s4;
	s5 =	sadd.s32 $0x13F400, s9  }
0x8: {  	s10 =	sand.u32 $0x1, s3;
	s6 =	sadd.s32 $0x13A400, s9;
	s7 =	sadd.s32 $0x144400, s9  }
0x9: {  	s3 =	stileid.u32;
	s8 =	sadd.s32 $0x1C00, s9;
	s11 =	smul.u32 $0x15F900, s10  }
0xa: {  	_ =	strace $0x80000047;
	s12 =	smul.u32 $0x15F90, s3;
	s13 =	ssub.s32 $0x2, s10  }
0xb: {  	s10 =	sshll.u32 s10, $0x4;
	s15 =	smul.u32 $0x57E40, s3;
	s14 =	sshrl.u32 s13, $0x1  }
0xc: {  	s10 =	sor.u32 s3, s10;
	s11 =	sadd.s32 s12, s11;
	s13 =	ssub.s32 s13, s14  }
0xd: {  	s22 =	sadd.s32 s12, s2;
	s31 =	sshrl.u32 s15, $0x2;
	s14 =	simm.s32 $0x2  }
0xe: {  	s15 =	simm.s32 $0x15F90;
	s11 =	sshrl.u32 s11, $0x3;
	s12 =	sadd.s32 s31, s2  }
0xf: {  	s22 =	sshrl.u32 s22, $0x3;
	s11 =	sadd.s32 s11, s9;
	s9 =	smul.u32 $0x1388, s10  }
0x10: {  	v0 =	vimm.f32 $0.0e+00;
	vm0 =	vmmov $0x1;
	s10 =	sadd.s32 $0x149400, s11;
	s11 =	smax.u32 s13, $0x1;
	s13 =	simm.s32 $0x17E08  }
.LBB2_1:
0x11: {  	s23 =	simm.s32 $0x0;
	s24 =	simm.s32 $0x240  }
.LBB2_2:
0x12: {  	p0 =	sne.s32 s24, $0x57C0;
	[tilespmem:s23+$0x17E88] =	vst v0  }
0x13: {  	[tilespmem:s23+$0x17E08] =	vst v0  }
0x14: {  	[tilespmem:s23+$0x17E18] =	vst v0  }
0x15: {  	[tilespmem:s23+$0x17E28] =	vst v0  }
.Ltmp0:
0x16: {  	[tilespmem:s23+$0x17E38] =	vst v0;
	(pc) =	sbr.rel @p0 .LBB2_2-.Ltmp0, $4  }
0x17: {  	[tilespmem:s23+$0x17E48] =	vst v0  }
0x18: {  	[tilespmem:s23+$0x17E58] =	vst v0  }
0x19: {  	[tilespmem:s23+$0x17E68] =	vst v0  }
0x1a: {  	[tilespmem:s23+$0x17E78] =	vst v0;
	s23 =	sshra.s32 s24, $0x2;
	s24 =	sadd.s32 $0x240, s24  }
0x1b: {  	[tilespmem:s23+$0x17E88] =	vst v0  }
0x1c: {  	[tilespmem:s23+$0x17E08] =	vst v0  }
0x1d: {  	[tilespmem:s23+$0x17E18] =	vst v0  }
0x1e: {  	[tilespmem:s23+$0x17E28] =	vst v0  }
0x1f: {  	[tilespmem:s23+$0x17E38] =	vst v0  }
0x20: {  	[tilespmem:s23+$0x17E48] =	vst v0  }
0x21: {  	[tilespmem:s23+$0x17E58] =	vst v0  }
0x22: {  	[tilespmem:s23+$0x17E68] =	vst v0  }
0x23: {  	[tilespmem:s23+$0x17E78] =	vst v0;
	s31 =	sadd.s32 $0x0, s12  }
0x24: {  	[spmem:s31] =	stream.linear.scatter [tilespmem:s13], [sflag:$0x2], $0xE10, $0x38;
	[tilespmem:$0x19488] =	vst v63  }
0x25: {  	s23 =	simm.s32 $0x3840;
	_ =	swait.ge [sflag:s14], $0xE10  }
.LBB2_4:
0x26: {  	s24 =	sshra.s32 s23, $0x2;
	[sflag:s14] =	ssyncset.done $0x0;
	p0 =	sne.s32 s23, $0x54600  }
.Ltmp1:
0x27: {  	s24 =	sadd.s32 s24, s12;
	[sflag:s14] =	ssyncadd.s32 $0xFFFFF1F0;
	(pc) =	sbr.rel @p0 .LBB2_4-.Ltmp1, $3  }
0x28: {  	[spmem:s24] =	stream.linear.scatter [tilespmem:s13], [sflag:$0x2], $0xE10, $0x38;
	[tilespmem:$0x19488] =	vst v63  }
0x29: {  	s23 =	sadd.s32 $0x3840, s23;
	_ =	sdelay $0x1  }
0x2a: {  	_ =	swait.ge [sflag:s14], $0xE10  }
0x2b: {  	[sflag:s14] =	ssyncset.done $0x0  }
0x2c: {  	[sflag:s14] =	ssyncadd.s32 $0xFFFFF1F0  }
0x2d: {  	s23 =	simm.s32 $0x0;
	s24 =	simm.s32 $0x0;
	[bflag:$0x0] =	sbarrier.arrive $0xFFFF  }
.LBB2_6:
0x2e: {  	s25 =	smul.u32 $0x28, s24;
	_ =	sdelay $0x1  }
0x2f: {  	s25 =	sadd.s32 s9, s25  }
0x30: {  	s26 =	sshrl.u32 s25, $0x3  }
0x31: {  	s28 =	sadd.s32 s5, s26  }
0x32: {  	[tilespmem:s15], [sflag:$0x2] =	stream.linear.gather [hbm4b:s28+s23], $0x28, $0x38;
	[tilespmem:$0x19488] =	vst v63  }
0x33: {  	_ =	swait.ge [sflag:s14], $0x28  }
0x34: {  	[sflag:s14] =	ssyncset.done $0x0  }
0x35: {  	s28 =	sadd.s32 s6, s26;
	[sflag:s14] =	ssyncadd.s32 $0xFFFFFFD8  }
0x36: {  	[tilespmem:s16], [sflag:$0x2] =	stream.linear.gather [hbm4b:s28+s23], $0x28, $0x38;
	[tilespmem:$0x19488] =	vst v63  }
0x37: {  	_ =	swait.ge [sflag:s14], $0x28  }
0x38: {  	[sflag:s14] =	ssyncset.done $0x0  }
0x39: {  	s26 =	sadd.s32 s7, s26;
	[sflag:s14] =	ssyncadd.s32 $0xFFFFFFD8  }
0x3a: {  	[tilespmem:s17], [sflag:$0x2] =	stream.linear.gather [hbm4b:s26+s23], $0x28, $0x38;
	[tilespmem:$0x19488] =	vst v63  }
0x3b: {  	_ =	swait.ge [sflag:s14], $0x28  }
0x3c: {  	s25 =	sshll.u32 s25, $0x3;
	[sflag:s14] =	ssyncset.done $0x0  }
0x3d: {  	s25 =	sadd.s32 s8, s25;
	[sflag:s14] =	ssyncadd.s32 $0xFFFFFFD8  }
0x3e: {  	[tilespmem:s18], [sflag:$0x2] =	stream.linear.gather [hbm4b:s25+s23], $0xA00, $0x38;
	[tilespmem:$0x19488] =	vst v63  }
0x3f: {  	_ =	swait.ge [sflag:s14], $0xA00  }
0x40: {  	[sflag:s14] =	ssyncset.done $0x0  }
0x41: {  	v1 =	vmov s23;
	[sflag:s14] =	ssyncadd.s32 $0xFFFFF600  }
0x42: {  	[tilespmem:s20], [sflag:$0x1] =	stream.indirect.gather [hbm4b:s1+s19], $0x80, s15, s19, $0xb8;
	[tilespmem:$0x19488] =	vst v63  }
0x43: {  	_ =	swait.ge [sflag:s21], $0x1400  }
0x44: {  	[sflag:s21] =	ssyncset.done $0x0  }
0x45: {  	[sflag:s21] =	ssyncadd.s32 $0xFFFFEC00  }
0x46: {  	v1 =	vld.idx.msk [tilespmem:v1+s17+$0x0], $0xffff;
	_ =	sdelay $0x4  }
0x47: {  	s25 =	simm.s32 $0x17E48;
	v2 =	vnsel vm0, $0x0, v1  }
0x48: {  	s26 =	simm.s32 $0x16A48;
	[tilespmem:s25+$0x40] =	vst v2  }
0x49: {  	v2 =	vld [tilespmem:s26+$0xFFFFFFC0]  }
0x4a: {  	s28 =	simm.s32 $0x16028  }
0x4b: {  	v3 =	vld [tilespmem:s28+$0xFFFFFFE0];
	_ =	sdelay $0x2  }
0x4c: {  	v2 =	vmul.f32 v2, v1;
	_ =	sdelay $0x1  }
0x4d: {  	v2 =	vadd.f32 v2, v3;
	_ =	sdelay $0x1  }
0x4e: {  	v2 =	vmax.f32 v2, $0.0e+00  }
0x4f: {  	[tilespmem:s25+$0xFFFFFFC0] =	vst v2  }
0x50: {  	v2 =	vld [tilespmem:s26+$0x0];
	_ =	sdelay $0x4  }
0x51: {  	v2 =	vmul.f32 v2, v1;
	_ =	sdelay $0x1  }
0x52: {  	v2 =	vadd.f32 v2, v3;
	_ =	sdelay $0x1  }
0x53: {  	v2 =	vmax.f32 v2, $0.0e+00  }
0x54: {  	[tilespmem:s25+$0x0] =	vst v2  }
0x55: {  	v2 =	vld [tilespmem:s26+$0xFFFFFFD0];
	_ =	sdelay $0x1  }
0x56: {  	v3 =	vld [tilespmem:s28+$0xFFFFFFF0];
	_ =	sdelay $0x2  }
0x57: {  	v2 =	vmul.f32 v2, v1;
	_ =	sdelay $0x1  }
0x58: {  	v2 =	vadd.f32 v2, v3;
	_ =	sdelay $0x1  }
0x59: {  	v2 =	vmax.f32 v2, $0.0e+00  }
0x5a: {  	[tilespmem:s25+$0xFFFFFFD0] =	vst v2  }
0x5b: {  	v2 =	vld [tilespmem:s26+$0x10];
	_ =	sdelay $0x4  }
0x5c: {  	v2 =	vmul.f32 v2, v1;
	_ =	sdelay $0x1  }
0x5d: {  	v2 =	vadd.f32 v2, v3;
	_ =	sdelay $0x1  }
0x5e: {  	v2 =	vmax.f32 v2, $0.0e+00  }
0x5f: {  	[tilespmem:s25+$0x10] =	vst v2  }
0x60: {  	v2 =	vld [tilespmem:s26+$0xFFFFFFE0];
	_ =	sdelay $0x1  }
0x61: {  	v3 =	vld [tilespmem:s28+$0x0];
	_ =	sdelay $0x2  }
0x62: {  	v2 =	vmul.f32 v2, v1;
	_ =	sdelay $0x1  }
0x63: {  	v2 =	vadd.f32 v2, v3;
	_ =	sdelay $0x1  }
0x64: {  	v2 =	vmax.f32 v2, $0.0e+00  }
0x65: {  	[tilespmem:s25+$0xFFFFFFE0] =	vst v2  }
0x66: {  	v2 =	vld [tilespmem:s26+$0x20];
	_ =	sdelay $0x4  }
0x67: {  	v2 =	vmul.f32 v2, v1;
	_ =	sdelay $0x1  }
0x68: {  	v2 =	vadd.f32 v2, v3;
	_ =	sdelay $0x1  }
0x69: {  	v2 =	vmax.f32 v2, $0.0e+00  }
0x6a: {  	[tilespmem:s25+$0x20] =	vst v2  }
0x6b: {  	v3 =	vld [tilespmem:s26+$0xFFFFFFF0];
	_ =	sdelay $0x1  }
0x6c: {  	v2 =	vld [tilespmem:s28+$0x10];
	_ =	sdelay $0x2  }
0x6d: {  	v3 =	vmul.f32 v3, v1;
	_ =	sdelay $0x1  }
0x6e: {  	v3 =	vadd.f32 v3, v2;
	_ =	sdelay $0x1  }
0x6f: {  	v3 =	vmax.f32 v3, $0.0e+00  }
0x70: {  	[tilespmem:s25+$0xFFFFFFF0] =	vst v3  }
0x71: {  	v3 =	vld [tilespmem:s26+$0x30];
	_ =	sdelay $0x4  }
0x72: {  	s29 =	simm.s32 $0x1;
	v3 =	vmul.f32 v3, v1  }
0x73: {  	v1 =	vmov s29;
	s29 =	simm.s32 $0x2  }
.LBB2_7:
0x74: {  	p0 =	sne.s32 s29, $0x27;
	v2 =	vadd.f32 v3, v2;
	_ =	sdelay $0x1  }
0x75: {  	v2 =	vmax.f32 v2, $0.0e+00  }
0x76: {  	[tilespmem:s25+$0x30] =	vst v2  }
0x77: {  	v1 =	vld.idx.msk [tilespmem:v1+s17+$0x0], $0xffff;
	_ =	sdelay $0x5  }
0x78: {  	s25 =	sadd.s32 $0x90, s25;
	v2 =	vnsel vm0, $0x0, v1  }
0x79: {  	s26 =	sadd.s32 $0x80, s26;
	[tilespmem:s25+$0x40] =	vst v2  }
0x7a: {  	v2 =	vld [tilespmem:s26+$0xFFFFFFC0]  }
0x7b: {  	s28 =	sadd.s32 $0x40, s28  }
0x7c: {  	v3 =	vld [tilespmem:s28+$0xFFFFFFE0];
	_ =	sdelay $0x2  }
0x7d: {  	v2 =	vmul.f32 v2, v1;
	_ =	sdelay $0x1  }
0x7e: {  	v2 =	vadd.f32 v2, v3;
	_ =	sdelay $0x1  }
0x7f: {  	v2 =	vmax.f32 v2, $0.0e+00  }
0x80: {  	[tilespmem:s25+$0xFFFFFFC0] =	vst v2  }
0x81: {  	v2 =	vld [tilespmem:s26+$0x0];
	_ =	sdelay $0x4  }
0x82: {  	v2 =	vmul.f32 v2, v1;
	_ =	sdelay $0x1  }
0x83: {  	v2 =	vadd.f32 v2, v3;
	_ =	sdelay $0x1  }
0x84: {  	v2 =	vmax.f32 v2, $0.0e+00  }
0x85: {  	[tilespmem:s25+$0x0] =	vst v2  }
0x86: {  	v2 =	vld [tilespmem:s26+$0xFFFFFFD0];
	_ =	sdelay $0x1  }
0x87: {  	v3 =	vld [tilespmem:s28+$0xFFFFFFF0];
	_ =	sdelay $0x2  }
0x88: {  	v2 =	vmul.f32 v2, v1;
	_ =	sdelay $0x1  }
0x89: {  	v2 =	vadd.f32 v2, v3;
	_ =	sdelay $0x1  }
0x8a: {  	v2 =	vmax.f32 v2, $0.0e+00  }
0x8b: {  	[tilespmem:s25+$0xFFFFFFD0] =	vst v2  }
0x8c: {  	v2 =	vld [tilespmem:s26+$0x10];
	_ =	sdelay $0x4  }
0x8d: {  	v2 =	vmul.f32 v2, v1;
	_ =	sdelay $0x1  }
0x8e: {  	v2 =	vadd.f32 v2, v3;
	_ =	sdelay $0x1  }
0x8f: {  	v2 =	vmax.f32 v2, $0.0e+00  }
0x90: {  	[tilespmem:s25+$0x10] =	vst v2  }
0x91: {  	v2 =	vld [tilespmem:s26+$0xFFFFFFE0];
	_ =	sdelay $0x1  }
0x92: {  	v3 =	vld [tilespmem:s28+$0x0];
	_ =	sdelay $0x2  }
0x93: {  	v2 =	vmul.f32 v2, v1;
	_ =	sdelay $0x1  }
0x94: {  	v2 =	vadd.f32 v2, v3;
	_ =	sdelay $0x1  }
0x95: {  	v2 =	vmax.f32 v2, $0.0e+00  }
0x96: {  	[tilespmem:s25+$0xFFFFFFE0] =	vst v2  }
0x97: {  	v2 =	vld [tilespmem:s26+$0x20];
	_ =	sdelay $0x4  }
0x98: {  	v2 =	vmul.f32 v2, v1;
	_ =	sdelay $0x1  }
0x99: {  	v2 =	vadd.f32 v2, v3;
	_ =	sdelay $0x1  }
0x9a: {  	v2 =	vmax.f32 v2, $0.0e+00  }
0x9b: {  	[tilespmem:s25+$0x20] =	vst v2  }
0x9c: {  	v3 =	vld [tilespmem:s26+$0xFFFFFFF0];
	_ =	sdelay $0x1  }
0x9d: {  	v2 =	vld [tilespmem:s28+$0x10];
	_ =	sdelay $0x2  }
0x9e: {  	v3 =	vmul.f32 v3, v1;
	_ =	sdelay $0x1  }
0x9f: {  	v3 =	vadd.f32 v3, v2;
	_ =	sdelay $0x1  }
0xa0: {  	v3 =	vmax.f32 v3, $0.0e+00  }
0xa1: {  	[tilespmem:s25+$0xFFFFFFF0] =	vst v3  }
0xa2: {  	v3 =	vld [tilespmem:s26+$0x30];
	_ =	sdelay $0x1  }
.Ltmp2:
0xa3: {  	(pc) =	sbr.rel @p0 .LBB2_7-.Ltmp2, $3  }
0xa4: {  	_ =	sdelay $0x1  }
0xa5: {  	v3 =	vmul.f32 v3, v1  }
0xa6: {  	v1 =	vmov s29;
	s29 =	sadd.s32 $0x1, s29  }
0xa7: {  	v2 =	vadd.f32 v3, v2;
	_ =	sdelay $0x1  }
0xa8: {  	v2 =	vmax.f32 v2, $0.0e+00  }
0xa9: {  	[tilespmem:s25+$0x30] =	vst v2  }
0xaa: {  	v1 =	vld.idx.msk [tilespmem:v1+s17+$0x0], $0xffff;
	_ =	sdelay $0x4  }
0xab: {  	s31 =	sadd.s32 $0x90, s25;
	v2 =	vnsel vm0, $0x0, v1  }
0xac: {  	s26 =	sadd.s32 $0x80, s26;
	[tilespmem:s31+$0x40] =	vst v2  }
0xad: {  	v2 =	vld [tilespmem:s26+$0xFFFFFFC0]  }
0xae: {  	s28 =	sadd.s32 $0x40, s28  }
0xaf: {  	v3 =	vld [tilespmem:s28+$0xFFFFFFE0];
	_ =	sdelay $0x2  }
0xb0: {  	v2 =	vmul.f32 v2, v1;
	_ =	sdelay $0x1  }
0xb1: {  	v2 =	vadd.f32 v2, v3;
	_ =	sdelay $0x1  }
0xb2: {  	v2 =	vmax.f32 v2, $0.0e+00  }
0xb3: {  	[tilespmem:s31+$0xFFFFFFC0] =	vst v2  }
0xb4: {  	v2 =	vld [tilespmem:s26+$0x0];
	_ =	sdelay $0x4  }
0xb5: {  	v2 =	vmul.f32 v2, v1;
	_ =	sdelay $0x1  }
0xb6: {  	v2 =	vadd.f32 v2, v3;
	_ =	sdelay $0x1  }
0xb7: {  	v2 =	vmax.f32 v2, $0.0e+00  }
0xb8: {  	[tilespmem:s31+$0x0] =	vst v2  }
0xb9: {  	v2 =	vld [tilespmem:s26+$0xFFFFFFD0];
	_ =	sdelay $0x1  }
0xba: {  	v3 =	vld [tilespmem:s28+$0xFFFFFFF0];
	_ =	sdelay $0x2  }
0xbb: {  	v2 =	vmul.f32 v2, v1;
	_ =	sdelay $0x1  }
0xbc: {  	v2 =	vadd.f32 v2, v3;
	_ =	sdelay $0x1  }
0xbd: {  	v2 =	vmax.f32 v2, $0.0e+00  }
0xbe: {  	[tilespmem:s31+$0xFFFFFFD0] =	vst v2  }
0xbf: {  	v2 =	vld [tilespmem:s26+$0x10];
	_ =	sdelay $0x4  }
0xc0: {  	v2 =	vmul.f32 v2, v1;
	_ =	sdelay $0x1  }
0xc1: {  	v2 =	vadd.f32 v2, v3;
	_ =	sdelay $0x1  }
0xc2: {  	v2 =	vmax.f32 v2, $0.0e+00  }
0xc3: {  	[tilespmem:s31+$0x10] =	vst v2  }
0xc4: {  	v2 =	vld [tilespmem:s26+$0xFFFFFFE0];
	_ =	sdelay $0x1  }
0xc5: {  	v3 =	vld [tilespmem:s28+$0x0];
	_ =	sdelay $0x2  }
0xc6: {  	v2 =	vmul.f32 v2, v1;
	_ =	sdelay $0x1  }
0xc7: {  	v2 =	vadd.f32 v2, v3;
	_ =	sdelay $0x1  }
0xc8: {  	v2 =	vmax.f32 v2, $0.0e+00  }
0xc9: {  	[tilespmem:s31+$0xFFFFFFE0] =	vst v2  }
0xca: {  	v2 =	vld [tilespmem:s26+$0x20];
	_ =	sdelay $0x4  }
0xcb: {  	v2 =	vmul.f32 v2, v1;
	_ =	sdelay $0x1  }
0xcc: {  	v2 =	vadd.f32 v2, v3;
	_ =	sdelay $0x1  }
0xcd: {  	v2 =	vmax.f32 v2, $0.0e+00  }
0xce: {  	[tilespmem:s31+$0x20] =	vst v2  }
0xcf: {  	v2 =	vld [tilespmem:s26+$0xFFFFFFF0];
	_ =	sdelay $0x1  }
0xd0: {  	v3 =	vld [tilespmem:s28+$0x10];
	_ =	sdelay $0x2  }
0xd1: {  	v2 =	vmul.f32 v2, v1;
	_ =	sdelay $0x1  }
0xd2: {  	v2 =	vadd.f32 v2, v3;
	_ =	sdelay $0x1  }
0xd3: {  	v2 =	vmax.f32 v2, $0.0e+00  }
0xd4: {  	[tilespmem:s31+$0xFFFFFFF0] =	vst v2  }
0xd5: {  	v2 =	vld [tilespmem:s26+$0x30];
	_ =	sdelay $0x4  }
0xd6: {  	v1 =	vmul.f32 v2, v1;
	_ =	sdelay $0x1  }
0xd7: {  	v1 =	vadd.f32 v1, v3  }
0xd8: {  	s24 =	sadd.s32 $0x1, s24  }
0xd9: {  	p0 =	sne.s32 s24, $0x7D;
	v1 =	vmax.f32 v1, $0.0e+00  }
.Ltmp3:
0xda: {  	[tilespmem:s31+$0x30] =	vst v1;
	(pc) =	sbr.rel @p0 .LBB2_6-.Ltmp3, $4  }
0xdb: {  	[spmem:s2] =	stream.indirect.scatter.add.f32 [tilespmem:s13], [sflag:$0x2], $0x90, s16, s19, $0xb8;
	[tilespmem:$0x19488] =	vst v63  }
0xdc: {  	_ =	swait.ge [sflag:s14], $0x1680  }
0xdd: {  	[sflag:s14] =	ssyncset.done $0x0  }
0xde: {  	[sflag:s14] =	ssyncadd.s32 $0xFFFFE980  }
0xdf: {  	s4 =	sadd.s32 $0x1, s4  }
0xe0: {  	s23 =	sshll.u32 s3, $0x6;
	p0 =	sne.s32 s4, s11  }
.Ltmp4:
0xe1: {  	[bflag:$0x0] =	sbarrier.arrive $0xFFFF;
	s23 =	sor.u32 $0x1C02, s23;
	(pc) =	sbr.rel @p0 .LBB2_1-.Ltmp4, $4  }
0xe2: {  	[hbm:s10], [sflag:s23] =	dma.local [spmem:s22], $0x2BF2  }
0xe3: {  	_ =	swait.ge [sflag:s14], $0x2BF2  }
0xe4: {  	[sflag:s14] =	ssyncset.done $0x0  }
0xe5: {  	[sflag:s14] =	ssyncadd.s32 $0xFFFFD40E  }
0xe6: {  	_ =	sfence.sel $0x180000  }
0xe7: {  	[bflag:$0x0] =	sbarrier.arrive $0xFFFF  }
0xe8: {  	p0 =	sne.s32 s3, $0x0;
	_ =	strace $0x90000047  }
0xe9: {  	s0 =	sadd.s32 @!p0 $0x100000, s0;
	[bflag:$0x2] =	sbarrier.arrive $0xFFFF  }
0xea: {  	[sflag:s0] =	ssyncadd.tile.s32 @!p0 $0x1;
	_ =	shalt  }
.Lfunc_end2:
_tile_overlayer_lowered:
.L_overlay_start_2:
0xeb: {  	(tag) =	ssettag $0x2  }
0xec: {  	s0 =	rddreg [dreg:$0x0];
	s2 =	stileid.u32  }
0xed: {  	s1 =	rddreg [dreg:$0x1];
	p0 =	sne.s32 s2, $0x0  }
0xee: {  	s3 =	rddreg [dreg:$0x2];
	[bflag:$0x3] =	sbarrier.arrive $0xFFFF;
	s2 =	simm.s32 @!p0 $0x1C02  }
0xef: {  	[timem:s3], [sflag:s2] =	dma.local @!p0 [hbm:s0], s1  }
0xf0: {  	s0 =	simm.s32 @!p0 $0x2  }
0xf1: {  	_ =	swait.ge @!p0 [sflag:s0], s1  }
0xf2: {  	s1 =	ssub.s32 @!p0 $0x0, s1;
	[sflag:s0] =	ssyncset.done @!p0 $0x0  }
0xf3: {  	[sflag:s0] =	ssyncadd.s32 @!p0 s1  }
0xf4: {  	[bflag:$0x3] =	sbarrier.arrive $0xFFFF  }
0xf5: {  	_ =	shalt  }

</sc_bundles>
